<compile_context>
chip_gen: v7x
topology: tpu7x:2x2x1
jax: 0.10.2.dev20260603
libtpu: 0.0.44.dev20260713+nightly
codegen_flags: <defaults>
</compile_context>

<pallas_src>
import functools

import jax
import jax.numpy as jnp
from jax import lax
from jax.experimental import pallas as pl
from jax.experimental.pallas import tpu as pltpu
from jax.experimental.pallas import tpu_sc as plsc

_N = 10000
_E = 320000
_D = 128
_RD = 16
_R = 32
_NB = 16
_IN_S = 2 * _D + _RD
_FOLD = 4
_NF = 2560
_NBINS = _NF * 128

_NUM_CORES = 2
_NUM_SUBCORES = 16
_NUM_WORKERS = _NUM_CORES * _NUM_SUBCORES
_ROW_W = 128
_ROWS = 79
_EPT_PAD = _ROWS * _ROW_W
_BASE_ROWS = 78
_EXTRA_FROM = _NUM_WORKERS - 4
_BPT = _NBINS // _NUM_SUBCORES
_CH = 10240
_DEPTH = 8


def _sc_count_body(edge_index_hbm, edge_type_hbm, out_hbm,
                   ei_v, typ_v, idx_v, ones_v, stage_a, stage_b, hist_sh,
                   sem, sem2, sem_r, sem_w):
    cid = lax.axis_index("c")
    sid = lax.axis_index("s")
    wid = sid * _NUM_CORES + cid
    base = (wid * _BASE_ROWS + jnp.maximum(wid - _EXTRA_FROM, 0)) * _ROW_W

    in1 = pltpu.make_async_copy(
        edge_index_hbm.at[:, pl.ds(base, _EPT_PAD)], ei_v, sem2)
    in1.start()
    in2 = pltpu.make_async_copy(
        edge_type_hbm.at[pl.ds(base, _EPT_PAD)], typ_v, sem2)
    in2.start()

    zvec = jnp.zeros((16,), jnp.float32)

    def _zero(i, carry):
        stage_a[pl.ds(i * 16, 16)] = zvec
        return carry

    lax.fori_loop(0, _CH // 16, _zero, 0)
    for q in range(_BPT // _CH):
        pltpu.make_async_copy(
            stage_a, hist_sh.at[pl.ds(sid * _BPT + q * _CH, _CH)],
            sem_r).start()

    ovec = jnp.ones((16,), jnp.float32)

    def _ones(i, carry):
        ones_v[pl.ds(i * 16, 16)] = ovec
        return carry

    lax.fori_loop(0, _ROW_W // 16, _ones, 0)

    in1.wait()
    in2.wait()

    for q in range(_BPT // _CH):
        pltpu.make_async_copy(
            stage_a, hist_sh.at[pl.ds(sid * _BPT, _CH)], sem_r).wait()

    plsc.subcore_barrier()

    def _compute_row(j):
        for k in range(_ROW_W // 16):
            off = j * _ROW_W + k * 16
            d = ei_v[1, pl.ds(off, 16)]
            t = typ_v[pl.ds(off, 16)]
            slot = lax.shift_right_logical(d * 13108, 25)
            idx_v[j, pl.ds(k * 16, 16)] = (
                d * 128 + t - slot * (128 * _NF - _R))

    def _fire(j):
        pltpu.make_async_copy(ones_v, hist_sh.at[idx_v.at[j]], sem).start()

    def _wait_one():
        pltpu.make_async_copy(ones_v, hist_sh.at[idx_v.at[0]], sem).wait()

    def _body_nowait(j, carry):
        _compute_row(j)
        _fire(j)
        return carry

    def _body(j, carry):
        _compute_row(j)
        _fire(j)
        _wait_one()
        return carry

    lax.fori_loop(0, _DEPTH, _body_nowait, 0)
    lax.fori_loop(_DEPTH, _ROWS - 1, _body, 0)

    _compute_row(_ROWS - 1)
    pad_vec = jnp.full((16,), _NBINS, jnp.int32)

    @pl.when(wid < _EXTRA_FROM)
    def _():
        def _pad(i, carry):
            idx_v[_ROWS - 1, pl.ds(i * 16, 16)] = pad_vec
            return carry

        lax.fori_loop(0, _ROW_W // 16, _pad, 0)

    _fire(_ROWS - 1)
    for _ in range(_DEPTH + 1):
        _wait_one()

    plsc.subcore_barrier()

    def _rd(c, buf, s):
        return pltpu.make_async_copy(
            hist_sh.at[pl.ds(sid * _BPT + c * _CH, _CH)], buf, s)

    def _wr(c, buf, s):
        return pltpu.make_async_copy(
            buf, out_hbm.at[pl.ds(cid * _NBINS + sid * _BPT + c * _CH, _CH)],
            s)

    _rd(0, stage_a, sem_r).start()
    _rd(1, stage_b, sem_w).start()
    _rd(0, stage_a, sem_r).wait()
    _wr(0, stage_a, sem_r).start()
    _rd(1, stage_b, sem_w).wait()
    _wr(1, stage_b, sem_w).start()
    _wr(0, stage_a, sem_r).wait()
    _wr(1, stage_b, sem_w).wait()


_sc_count = pl.kernel(
    _sc_count_body,
    out_type=jax.ShapeDtypeStruct((_NUM_CORES * _NBINS,), jnp.float32),
    mesh=plsc.VectorSubcoreMesh(core_axis_name="c", subcore_axis_name="s"),
    scratch_types=[
        pltpu.VMEM((2, _EPT_PAD), jnp.int32),
        pltpu.VMEM((_EPT_PAD,), jnp.int32),
        pltpu.VMEM((_ROWS, _ROW_W), jnp.int32),
        pltpu.VMEM((_ROW_W,), jnp.float32),
        pltpu.VMEM((_CH,), jnp.float32),
        pltpu.VMEM((_CH,), jnp.float32),
        pltpu.VMEM_SHARED((_NBINS + 16,), jnp.float32),
        pltpu.SemaphoreType.DMA,
        pltpu.SemaphoreType.DMA,
        pltpu.SemaphoreType.DMA,
        pltpu.SemaphoreType.DMA,
    ],
)


_BLKF = 2560


def _tc_attn_body(x_ref, cnt_ref, eemb_ref, br_ref, basr_ref,
                  coefr_ref, out_ref):
    k = pl.program_id(1)
    x = x_ref[...]
    basr = basr_ref[...][:, :, 0]
    rw = jnp.dot(coefr_ref[...], basr,
                 preferred_element_type=jnp.float32)
    wp = rw[:, :_D]
    wq = rw[:, _D:2 * _D]
    wr = rw[:, 2 * _D:]
    p = lax.dot_general(x, wp, (((1,), (1,)), ((), ())),
                        preferred_element_type=jnp.float32)
    q = lax.dot_general(x, wq, (((1,), (1,)), ((), ())),
                        preferred_element_type=jnp.float32)
    dvec = jnp.sum(eemb_ref[...] * wr, axis=1) + br_ref[...][:, 0]
    lane = lax.broadcasted_iota(jnp.int32, (128, _R), 0)
    col = lax.broadcasted_iota(jnp.int32, (128, _R), 1)
    sel = (lane == col + _R * k).astype(jnp.float32)
    c3 = cnt_ref[...]
    csum = c3[0] + c3[1]
    cnt = lax.dot_general(csum, sel, (((1,), (0,)), ((), ())),
                          preferred_element_type=jnp.float32)
    mask = cnt > 0.0
    score = p + jnp.where(mask, q, 0.0) + dvec[None, :]
    score = jnp.where(mask, score, jnp.float32(-10000000000.0))
    m = jnp.max(score, axis=1, keepdims=True)
    e = jnp.exp(score - m)
    z = jnp.sum(e, axis=1, keepdims=True)
    s = jnp.sum(jnp.where(mask, e, 0.0), axis=1, keepdims=True) / z
    out_ref[...] = x * (1.0 + s)


_tc_attn = pl.pallas_call(
    _tc_attn_body,
    grid=(_NF // _BLKF, _FOLD),
    in_specs=[
        pl.BlockSpec((_BLKF, _D), lambda i, k: (k * (_NF // _BLKF) + i, 0)),
        pl.BlockSpec((2, _BLKF, 128), lambda i, k: (0, i, 0)),
        pl.BlockSpec((_R, _RD), lambda i, k: (0, 0)),
        pl.BlockSpec((_R, 1), lambda i, k: (0, 0)),
        pl.BlockSpec((_NB, _IN_S, 1), lambda i, k: (0, 0, 0)),
        pl.BlockSpec((_R, _NB), lambda i, k: (0, 0)),
    ],
    out_specs=pl.BlockSpec((_BLKF, _D), lambda i, k: (k * (_NF // _BLKF) + i, 0)),
    out_shape=jax.ShapeDtypeStruct((_N, _D), jnp.float32),
)


def kernel(node_emb, edge_embeddings, b_s, b_r, bases_s, coeff_s, bases_r,
           coeff_r, edge_index, edge_type):
    del b_s, bases_s, coeff_s
    counts = _sc_count(edge_index, edge_type)
    counts3 = counts.reshape(_NUM_CORES, _NF, 128)
    return _tc_attn(node_emb, counts3, edge_embeddings, b_r,
                    bases_r, coeff_r)

# --- scband reference (transcript-rebuilt; emitter-appended) ---
"""Pipeline reference for scband-hats-65317862637845 (READ-ONLY COPY).

The authoritative reference and input builder live on the scoring server;
editing this copy changes nothing except your own understanding.
"""

import jax, jax.numpy as jnp
import numpy as np

N = 10000
E = 320000
D = 128
RD = 16
R = 32
NB = 16
IN_S = 2 * D + RD


def setup_inputs(seed: int = 0) -> dict:
    key = jax.random.key(seed)
    ks = jax.random.split(key, 10)
    return {
        "node_emb": jax.random.normal(ks[0], (N, D), dtype=jnp.float32),
        "edge_embeddings": jax.random.normal(ks[1], (R, RD), dtype=jnp.float32) * 0.1,
        "b_s": jax.random.normal(ks[2], (R, 1), dtype=jnp.float32) * 0.1,
        "b_r": jax.random.normal(ks[3], (R, 1), dtype=jnp.float32) * 0.1,
        "bases_s": jax.random.normal(ks[4], (NB, IN_S, 1), dtype=jnp.float32) * 0.05,
        "coeff_s": jax.random.normal(ks[5], (R, NB), dtype=jnp.float32) * 0.1,
        "bases_r": jax.random.normal(ks[6], (NB, IN_S, 1), dtype=jnp.float32) * 0.05,
        "coeff_r": jax.random.normal(ks[7], (R, NB), dtype=jnp.float32) * 0.1,
        "edge_index": jax.random.randint(ks[8], (2, E), 0, N, dtype=jnp.int32),
        "edge_type": jax.random.randint(ks[9], (E,), 0, R, dtype=jnp.int32),
    }


def reference(node_emb, edge_embeddings, b_s, b_r, bases_s, coeff_s, bases_r, coeff_r, edge_index, edge_type):
    src = edge_index[0]
    dst = edge_index[1]
    # homo_message: gather endpoint embeddings and relation embedding per edge
    src_e = node_emb[src]
    dst_e = node_emb[dst]
    rel_e = edge_embeddings[edge_type]
    emb_cat = jnp.concatenate([src_e, dst_e, rel_e], axis=-1)  # [E, 2D+RD]
    # TypedLinear W_s with basis regularizer: W[t] = sum_b coeff_s[t,b] * bases_s[b]
    xb = jnp.einsum('ei,bi->eb', emb_cat, bases_s[:, :, 0])  # [E, NB]
    score = jnp.sum(xb * coeff_s[edge_type], axis=-1) + b_s[edge_type, 0]  # [E]
    # scatter_softmax over edges grouped by (dst node, edge type) == per-node per-type softmax
    g = dst * R + edge_type
    nseg = N * R
    gmax = jax.ops.segment_max(score, g, num_segments=nseg)
    gmax = jnp.where(jnp.isfinite(gmax), gmax, 0.0)
    gmax = jax.lax.stop_gradient(gmax)
    ex = jnp.exp(score - gmax[g])
    denom = jax.ops.segment_sum(ex, g, num_segments=nseg)
    alpha = ex / denom[g]  # [E]
    # scatter_add of alpha * dst_msg (dst_msg = dst embedding, as in the torch code)
    aggr_msg = jax.ops.segment_sum(alpha[:, None] * dst_e, g, num_segments=nseg).reshape(N, R, D)
    edge_count = jax.ops.segment_sum(jnp.ones_like(alpha), g, num_segments=nseg).reshape(N, R)
    # relation-level attention
    node_exp = jnp.broadcast_to(node_emb[:, None, :], (N, R, D))
    rel_exp = jnp.broadcast_to(edge_embeddings[None, :, :], (N, R, RD))
    rel_cat = jnp.concatenate([node_exp, aggr_msg, rel_exp], axis=-1)  # [N, R, 2D+RD]
    r_weight = jnp.einsum('rb,bi->ri', coeff_r, bases_r[:, :, 0])  # [R, 2D+RD]
    rel_score = jnp.einsum('nri,ri->nr', rel_cat, r_weight) + b_r[None, :, 0]  # [N, R]
    rel_score = jnp.where(edge_count > 0, rel_score, jnp.float32(-10000000000.0))
    rel_score = jax.nn.softmax(rel_score, axis=1)
    new_emb = jnp.sum(rel_score[:, :, None] * aggr_msg, axis=1)
    return new_emb + node_emb

if __name__ == "__main__":
    import jax
    _d = setup_inputs()
    print(jax.jit(kernel)(*tuple(_d.values())))

</pallas_src>

<mosaic_0001>
#map = affine_map<(d0, d1) -> (0, 0)>
#map1 = affine_map<(d0, d1) -> (0)>
module attributes {stable_mosaic.version = 14 : i64} {
  func.func @_sc_count_body(%arg0: i32, %arg1: i32, %arg2: memref<2x320000xi32, #tpu.memory_space<hbm>>, %arg3: memref<320000xi32, #tpu.memory_space<hbm>>, %arg4: memref<655360xf32, #tpu.memory_space<hbm>>, %arg5: memref<2x10112xi32, #tpu.memory_space<vmem>>, %arg6: memref<10112xi32, #tpu.memory_space<vmem>>, %arg7: memref<79x128xi32, #tpu.memory_space<vmem>>, %arg8: memref<128xf32, #tpu.memory_space<vmem>>, %arg9: memref<10240xf32, #tpu.memory_space<vmem>>, %arg10: memref<10240xf32, #tpu.memory_space<vmem>>, %arg11: memref<327696xf32, #tpu.memory_space<vmem_shared>>, %arg12: memref<!tpu.dma_semaphore, #tpu.memory_space<semaphore_mem>>, %arg13: memref<!tpu.dma_semaphore, #tpu.memory_space<semaphore_mem>>, %arg14: memref<!tpu.dma_semaphore, #tpu.memory_space<semaphore_mem>>, %arg15: memref<!tpu.dma_semaphore, #tpu.memory_space<semaphore_mem>>) attributes {dimension_semantics = [#tpu.dimension_semantics<core_parallel>, #tpu.dimension_semantics<subcore_parallel>], iteration_bounds = array<i64: 2, 16>, scalar_prefetch = 0 : i64, scratch_operands = 11 : i64, tpu.core_type = #tpu.core_type<sc_vector_subcore>, window_params = [{transform_indices = #map}, {transform_indices = #map1}, {transform_indices = #map1}]} {
    %mul3A = arith.constant 2 : i32
    %mul3A_0 = arith.muli %arg1, %mul3A : i32
    %add3A = arith.addi %mul3A_0, %arg0 : i32
    %mul3A_1 = arith.constant 78 : i32
    %mul3A_2 = arith.muli %add3A, %mul3A_1 : i32
    %sub3A = arith.constant 28 : i32
    %sub3A_3 = arith.subi %add3A, %sub3A : i32
    %max3A = arith.constant 0 : i32
    %max3A_4 = arith.maxsi %sub3A_3, %max3A : i32
    %add3A_5 = arith.addi %mul3A_2, %max3A_4 : i32
    %mul3A_6 = arith.constant 128 : i32
    %mul3A_7 = arith.muli %add3A_5, %mul3A_6 : i32
    %dma_start3A = arith.constant 0 : i32
    %dma_start3A_8 = tpu.memref_slice %arg2[%dma_start3A, %mul3A_7] : memref<2x320000xi32, #tpu.memory_space<hbm>> -> memref<2x10112xi32, #tpu.memory_space<hbm>>
    %dma_start3A_9 = arith.constant 0 : i32
    %dma_start3A_10 = tpu.memref_slice %arg2[%dma_start3A_9, %mul3A_7] : memref<2x320000xi32, #tpu.memory_space<hbm>> -> memref<2x10112xi32, #tpu.memory_space<hbm>>
    tpu.enqueue_dma source(%dma_start3A_10 : memref<2x10112xi32, #tpu.memory_space<hbm>>) target(%arg5 : memref<2x10112xi32, #tpu.memory_space<vmem>>) target_semaphore(%arg13 : memref<!tpu.dma_semaphore, #tpu.memory_space<semaphore_mem>>)
    %dma_start3A_11 = tpu.memref_slice %arg3[%mul3A_7] : memref<320000xi32, #tpu.memory_space<hbm>> -> memref<10112xi32, #tpu.memory_space<hbm>>
    %dma_start3A_12 = tpu.memref_slice %arg3[%mul3A_7] : memref<320000xi32, #tpu.memory_space<hbm>> -> memref<10112xi32, #tpu.memory_space<hbm>>
    tpu.enqueue_dma source(%dma_start3A_12 : memref<10112xi32, #tpu.memory_space<hbm>>) target(%arg6 : memref<10112xi32, #tpu.memory_space<vmem>>) target_semaphore(%arg13 : memref<!tpu.dma_semaphore, #tpu.memory_space<semaphore_mem>>)
    %broadcast_in_dim3A = arith.constant 0.000000e+00 : f32
    %broadcast_in_dim3A_13 = vector.broadcast %broadcast_in_dim3A : f32 to vector<16xf32>
    %scan3A = arith.constant 0 : i32
    %scan3A_14 = arith.constant 0 : i32
    %scan3A_15 = arith.constant 640 : i32
    %scan3A_16 = arith.addi %scan3A_14, %scan3A_15 : i32
    %scan3A_17 = arith.constant 1 : i32
    scf.for %scan3A_410 = %scan3A_14 to %scan3A_16 step %scan3A_17  : i32 {
      %mul3A_411 = arith.constant 16 : i32
      %mul3A_412 = arith.muli %scan3A_410, %mul3A_411 : i32
      %swap3A_413 = arith.index_cast %mul3A_412 : i32 to index
      %swap3A_414 = tpu.vector_load %arg9[%swap3A_413] {strides = array<i32>} : memref<10240xf32, #tpu.memory_space<vmem>>, vector<16xf32>,
      %swap3A_415 = vector.shape_cast %swap3A_414 : vector<16xf32> to vector<16xf32>
      %swap3A_416 = vector.shape_cast %broadcast_in_dim3A_13 : vector<16xf32> to vector<16xf32>
      tpu.vector_store %arg9[%swap3A_413], %swap3A_416 {strides = array<i32>} : memref<10240xf32, #tpu.memory_space<vmem>>, vector<16xf32>,
    }
    %scan3A_18 = arith.constant 640 : i32
    %mul3A_19 = arith.constant 20480 : i32
    %mul3A_20 = arith.muli %arg1, %mul3A_19 : i32
    %add3A_21 = arith.constant 0 : i32
    %add3A_22 = arith.addi %mul3A_20, %add3A_21 : i32
    %dma_start3A_23 = tpu.memref_slice %arg11[%add3A_22] : memref<327696xf32, #tpu.memory_space<vmem_shared>> -> memref<10240xf32, #tpu.memory_space<vmem_shared>>
    %dma_start3A_24 = tpu.memref_slice %arg11[%add3A_22] : memref<327696xf32, #tpu.memory_space<vmem_shared>> -> memref<10240xf32, #tpu.memory_space<vmem_shared>>
    tpu.enqueue_dma source(%arg9 : memref<10240xf32, #tpu.memory_space<vmem>>) target(%dma_start3A_24 : memref<10240xf32, #tpu.memory_space<vmem_shared>>) target_semaphore(%arg14 : memref<!tpu.dma_semaphore, #tpu.memory_space<semaphore_mem>>)
    %mul3A_25 = arith.constant 20480 : i32
    %mul3A_26 = arith.muli %arg1, %mul3A_25 : i32
    %add3A_27 = arith.constant 10240 : i32
    %add3A_28 = arith.addi %mul3A_26, %add3A_27 : i32
    %dma_start3A_29 = tpu.memref_slice %arg11[%add3A_28] : memref<327696xf32, #tpu.memory_space<vmem_shared>> -> memref<10240xf32, #tpu.memory_space<vmem_shared>>
    %dma_start3A_30 = tpu.memref_slice %arg11[%add3A_28] : memref<327696xf32, #tpu.memory_space<vmem_shared>> -> memref<10240xf32, #tpu.memory_space<vmem_shared>>
    tpu.enqueue_dma source(%arg9 : memref<10240xf32, #tpu.memory_space<vmem>>) target(%dma_start3A_30 : memref<10240xf32, #tpu.memory_space<vmem_shared>>) target_semaphore(%arg14 : memref<!tpu.dma_semaphore, #tpu.memory_space<semaphore_mem>>)
    %broadcast_in_dim3A_31 = arith.constant 1.000000e+00 : f32
    %broadcast_in_dim3A_32 = vector.broadcast %broadcast_in_dim3A_31 : f32 to vector<16xf32>
    %scan3A_33 = arith.constant 0 : i32
    %scan3A_34 = arith.constant 0 : i32
    %scan3A_35 = arith.constant 8 : i32
    %scan3A_36 = arith.addi %scan3A_34, %scan3A_35 : i32
    %scan3A_37 = arith.constant 1 : i32
    scf.for %scan3A_410 = %scan3A_34 to %scan3A_36 step %scan3A_37  : i32 {
      %mul3A_411 = arith.constant 16 : i32
      %mul3A_412 = arith.muli %scan3A_410, %mul3A_411 : i32
      %swap3A_413 = arith.index_cast %mul3A_412 : i32 to index
      %swap3A_414 = tpu.vector_load %arg8[%swap3A_413] {strides = array<i32>} : memref<128xf32, #tpu.memory_space<vmem>>, vector<16xf32>,
      %swap3A_415 = vector.shape_cast %swap3A_414 : vector<16xf32> to vector<16xf32>
      %swap3A_416 = vector.shape_cast %broadcast_in_dim3A_32 : vector<16xf32> to vector<16xf32>
      tpu.vector_store %arg8[%swap3A_413], %swap3A_416 {strides = array<i32>} : memref<128xf32, #tpu.memory_space<vmem>>, vector<16xf32>,
    }
    %scan3A_38 = arith.constant 8 : i32
    %dma_wait3A = arith.constant 0 : i32
    %dma_wait3A_39 = tpu.memref_slice %arg2[%dma_wait3A, %mul3A_7] : memref<2x320000xi32, #tpu.memory_space<hbm>> -> memref<2x10112xi32, #tpu.memory_space<hbm>>
    %dma_wait3A_40 = arith.constant 0 : i32
    %dma_wait3A_41 = tpu.memref_slice %arg2[%dma_wait3A_40, %mul3A_7] : memref<2x320000xi32, #tpu.memory_space<hbm>> -> memref<2x10112xi32, #tpu.memory_space<hbm>>
    tpu.wait_dma2 semaphore(%arg13 : memref<!tpu.dma_semaphore, #tpu.memory_space<semaphore_mem>>) src(%dma_wait3A_41 : memref<2x10112xi32, #tpu.memory_space<hbm>>) dst(%arg5 : memref<2x10112xi32, #tpu.memory_space<vmem>>)
    %dma_wait3A_42 = tpu.memref_slice %arg3[%mul3A_7] : memref<320000xi32, #tpu.memory_space<hbm>> -> memref<10112xi32, #tpu.memory_space<hbm>>
    %dma_wait3A_43 = tpu.memref_slice %arg3[%mul3A_7] : memref<320000xi32, #tpu.memory_space<hbm>> -> memref<10112xi32, #tpu.memory_space<hbm>>
    tpu.wait_dma2 semaphore(%arg13 : memref<!tpu.dma_semaphore, #tpu.memory_space<semaphore_mem>>) src(%dma_wait3A_43 : memref<10112xi32, #tpu.memory_space<hbm>>) dst(%arg6 : memref<10112xi32, #tpu.memory_space<vmem>>)
    %mul3A_44 = arith.constant 20480 : i32
    %mul3A_45 = arith.muli %arg1, %mul3A_44 : i32
    %dma_wait3A_46 = tpu.memref_slice %arg11[%mul3A_45] : memref<327696xf32, #tpu.memory_space<vmem_shared>> -> memref<10240xf32, #tpu.memory_space<vmem_shared>>
    %dma_wait3A_47 = tpu.memref_slice %arg11[%mul3A_45] : memref<327696xf32, #tpu.memory_space<vmem_shared>> -> memref<10240xf32, #tpu.memory_space<vmem_shared>>
    tpu.wait_dma2 semaphore(%arg14 : memref<!tpu.dma_semaphore, #tpu.memory_space<semaphore_mem>>) src(%arg9 : memref<10240xf32, #tpu.memory_space<vmem>>) dst(%dma_wait3A_47 : memref<10240xf32, #tpu.memory_space<vmem_shared>>)
    %mul3A_48 = arith.constant 20480 : i32
    %mul3A_49 = arith.muli %arg1, %mul3A_48 : i32
    %dma_wait3A_50 = tpu.memref_slice %arg11[%mul3A_49] : memref<327696xf32, #tpu.memory_space<vmem_shared>> -> memref<10240xf32, #tpu.memory_space<vmem_shared>>
    %dma_wait3A_51 = tpu.memref_slice %arg11[%mul3A_49] : memref<327696xf32, #tpu.memory_space<vmem_shared>> -> memref<10240xf32, #tpu.memory_space<vmem_shared>>
    tpu.wait_dma2 semaphore(%arg14 : memref<!tpu.dma_semaphore, #tpu.memory_space<semaphore_mem>>) src(%arg9 : memref<10240xf32, #tpu.memory_space<vmem>>) dst(%dma_wait3A_51 : memref<10240xf32, #tpu.memory_space<vmem_shared>>)
    %barrier3A = arith.constant 0 : index
    tpu.barrier barrier_id(%barrier3A)
    %scan3A_52 = arith.constant 0 : i32
    %scan3A_53 = arith.constant 0 : i32
    %scan3A_54 = arith.constant 8 : i32
    %scan3A_55 = arith.addi %scan3A_53, %scan3A_54 : i32
    %scan3A_56 = arith.constant 1 : i32
    scf.for %scan3A_410 = %scan3A_53 to %scan3A_55 step %scan3A_56  : i32 {
      %mul3A_411 = arith.constant 128 : i32
      %mul3A_412 = arith.muli %scan3A_410, %mul3A_411 : i32
      %add3A_413 = arith.constant 0 : i32
      %add3A_414 = arith.addi %mul3A_412, %add3A_413 : i32
      %get3A_415 = arith.constant 1 : i32
      %get3A_416 = arith.index_cast %get3A_415 : i32 to index
      %get3A_417 = arith.index_cast %add3A_414 : i32 to index
      %get3A_418 = tpu.vector_load %arg5[%get3A_416, %get3A_417] {strides = array<i32>} : memref<2x10112xi32, #tpu.memory_space<vmem>>, vector<1x16xi32>,
      %get3A_419 = vector.shape_cast %get3A_418 : vector<1x16xi32> to vector<16xi32>
      %get3A_420 = arith.index_cast %add3A_414 : i32 to index
      %get3A_421 = tpu.vector_load %arg6[%get3A_420] {strides = array<i32>} : memref<10112xi32, #tpu.memory_space<vmem>>, vector<16xi32>,
      %get3A_422 = vector.shape_cast %get3A_421 : vector<16xi32> to vector<16xi32>
      %mul3A_423 = arith.constant 13108 : i32
      %mul3A_424 = vector.broadcast %mul3A_423 : i32 to vector<16xi32>
      %mul3A_425 = arith.muli %get3A_419, %mul3A_424 : vector<16xi32>
      %shift_right_logical3A_426 = arith.constant 25 : i32
      %shift_right_logical3A_427 = vector.broadcast %shift_right_logical3A_426 : i32 to vector<16xi32>
      %shift_right_logical3A_428 = arith.shrui %mul3A_425, %shift_right_logical3A_427 : vector<16xi32>
      %mul3A_429 = arith.constant 128 : i32
      %mul3A_430 = vector.broadcast %mul3A_429 : i32 to vector<16xi32>
      %mul3A_431 = arith.muli %get3A_419, %mul3A_430 : vector<16xi32>
      %add3A_432 = arith.addi %mul3A_431, %get3A_422 : vector<16xi32>
      %mul3A_433 = arith.constant 327648 : i32
      %mul3A_434 = vector.broadcast %mul3A_433 : i32 to vector<16xi32>
      %mul3A_435 = arith.muli %shift_right_logical3A_428, %mul3A_434 : vector<16xi32>
      %sub3A_436 = arith.subi %add3A_432, %mul3A_435 : vector<16xi32>
      %swap3A_437 = arith.index_cast %scan3A_410 : i32 to index
      %swap3A_438 = arith.constant 0 : index
      %swap3A_439 = tpu.vector_load %arg7[%swap3A_437, %swap3A_438] {strides = array<i32>} : memref<79x128xi32, #tpu.memory_space<vmem>>, vector<1x16xi32>,
      %swap3A_440 = vector.shape_cast %swap3A_439 : vector<1x16xi32> to vector<16xi32>
      %swap3A_441 = vector.shape_cast %sub3A_436 : vector<16xi32> to vector<1x16xi32>
      tpu.vector_store %arg7[%swap3A_437, %swap3A_438], %swap3A_441 {strides = array<i32>} : memref<79x128xi32, #tpu.memory_space<vmem>>, vector<1x16xi32>,
      %mul3A_442 = arith.constant 128 : i32
      %mul3A_443 = arith.muli %scan3A_410, %mul3A_442 : i32
      %add3A_444 = arith.constant 16 : i32
      %add3A_445 = arith.addi %mul3A_443, %add3A_444 : i32
      %get3A_446 = arith.constant 1 : i32
      %get3A_447 = arith.index_cast %get3A_446 : i32 to index
      %get3A_448 = arith.index_cast %add3A_445 : i32 to index
      %get3A_449 = tpu.vector_load %arg5[%get3A_447, %get3A_448] {strides = array<i32>} : memref<2x10112xi32, #tpu.memory_space<vmem>>, vector<1x16xi32>,
      %get3A_450 = vector.shape_cast %get3A_449 : vector<1x16xi32> to vector<16xi32>
      %get3A_451 = arith.index_cast %add3A_445 : i32 to index
      %get3A_452 = tpu.vector_load %arg6[%get3A_451] {strides = array<i32>} : memref<10112xi32, #tpu.memory_space<vmem>>, vector<16xi32>,
      %get3A_453 = vector.shape_cast %get3A_452 : vector<16xi32> to vector<16xi32>
      %mul3A_454 = arith.constant 13108 : i32
      %mul3A_455 = vector.broadcast %mul3A_454 : i32 to vector<16xi32>
      %mul3A_456 = arith.muli %get3A_450, %mul3A_455 : vector<16xi32>
      %shift_right_logical3A_457 = arith.constant 25 : i32
      %shift_right_logical3A_458 = vector.broadcast %shift_right_logical3A_457 : i32 to vector<16xi32>
      %shift_right_logical3A_459 = arith.shrui %mul3A_456, %shift_right_logical3A_458 : vector<16xi32>
      %mul3A_460 = arith.constant 128 : i32
      %mul3A_461 = vector.broadcast %mul3A_460 : i32 to vector<16xi32>
      %mul3A_462 = arith.muli %get3A_450, %mul3A_461 : vector<16xi32>
      %add3A_463 = arith.addi %mul3A_462, %get3A_453 : vector<16xi32>
      %mul3A_464 = arith.constant 327648 : i32
      %mul3A_465 = vector.broadcast %mul3A_464 : i32 to vector<16xi32>
      %mul3A_466 = arith.muli %shift_right_logical3A_459, %mul3A_465 : vector<16xi32>
      %sub3A_467 = arith.subi %add3A_463, %mul3A_466 : vector<16xi32>
      %swap3A_468 = arith.index_cast %scan3A_410 : i32 to index
      %swap3A_469 = arith.constant 16 : index
      %swap3A_470 = tpu.vector_load %arg7[%swap3A_468, %swap3A_469] {strides = array<i32>} : memref<79x128xi32, #tpu.memory_space<vmem>>, vector<1x16xi32>,
      %swap3A_471 = vector.shape_cast %swap3A_470 : vector<1x16xi32> to vector<16xi32>
      %swap3A_472 = vector.shape_cast %sub3A_467 : vector<16xi32> to vector<1x16xi32>
      tpu.vector_store %arg7[%swap3A_468, %swap3A_469], %swap3A_472 {strides = array<i32>} : memref<79x128xi32, #tpu.memory_space<vmem>>, vector<1x16xi32>,
      %mul3A_473 = arith.constant 128 : i32
      %mul3A_474 = arith.muli %scan3A_410, %mul3A_473 : i32
      %add3A_475 = arith.constant 32 : i32
      %add3A_476 = arith.addi %mul3A_474, %add3A_475 : i32
      %get3A_477 = arith.constant 1 : i32
      %get3A_478 = arith.index_cast %get3A_477 : i32 to index
      %get3A_479 = arith.index_cast %add3A_476 : i32 to index
      %get3A_480 = tpu.vector_load %arg5[%get3A_478, %get3A_479] {strides = array<i32>} : memref<2x10112xi32, #tpu.memory_space<vmem>>, vector<1x16xi32>,
      %get3A_481 = vector.shape_cast %get3A_480 : vector<1x16xi32> to vector<16xi32>
      %get3A_482 = arith.index_cast %add3A_476 : i32 to index
      %get3A_483 = tpu.vector_load %arg6[%get3A_482] {strides = array<i32>} : memref<10112xi32, #tpu.memory_space<vmem>>, vector<16xi32>,
      %get3A_484 = vector.shape_cast %get3A_483 : vector<16xi32> to vector<16xi32>
      %mul3A_485 = arith.constant 13108 : i32
      %mul3A_486 = vector.broadcast %mul3A_485 : i32 to vector<16xi32>
      %mul3A_487 = arith.muli %get3A_481, %mul3A_486 : vector<16xi32>
      %shift_right_logical3A_488 = arith.constant 25 : i32
      %shift_right_logical3A_489 = vector.broadcast %shift_right_logical3A_488 : i32 to vector<16xi32>
      %shift_right_logical3A_490 = arith.shrui %mul3A_487, %shift_right_logical3A_489 : vector<16xi32>
      %mul3A_491 = arith.constant 128 : i32
      %mul3A_492 = vector.broadcast %mul3A_491 : i32 to vector<16xi32>
      %mul3A_493 = arith.muli %get3A_481, %mul3A_492 : vector<16xi32>
      %add3A_494 = arith.addi %mul3A_493, %get3A_484 : vector<16xi32>
      %mul3A_495 = arith.constant 327648 : i32
      %mul3A_496 = vector.broadcast %mul3A_495 : i32 to vector<16xi32>
      %mul3A_497 = arith.muli %shift_right_logical3A_490, %mul3A_496 : vector<16xi32>
      %sub3A_498 = arith.subi %add3A_494, %mul3A_497 : vector<16xi32>
      %swap3A_499 = arith.index_cast %scan3A_410 : i32 to index
      %swap3A_500 = arith.constant 32 : index
      %swap3A_501 = tpu.vector_load %arg7[%swap3A_499, %swap3A_500] {strides = array<i32>} : memref<79x128xi32, #tpu.memory_space<vmem>>, vector<1x16xi32>,
      %swap3A_502 = vector.shape_cast %swap3A_501 : vector<1x16xi32> to vector<16xi32>
      %swap3A_503 = vector.shape_cast %sub3A_498 : vector<16xi32> to vector<1x16xi32>
      tpu.vector_store %arg7[%swap3A_499, %swap3A_500], %swap3A_503 {strides = array<i32>} : memref<79x128xi32, #tpu.memory_space<vmem>>, vector<1x16xi32>,
      %mul3A_504 = arith.constant 128 : i32
      %mul3A_505 = arith.muli %scan3A_410, %mul3A_504 : i32
      %add3A_506 = arith.constant 48 : i32
      %add3A_507 = arith.addi %mul3A_505, %add3A_506 : i32
      %get3A_508 = arith.constant 1 : i32
      %get3A_509 = arith.index_cast %get3A_508 : i32 to index
      %get3A_510 = arith.index_cast %add3A_507 : i32 to index
      %get3A_511 = tpu.vector_load %arg5[%get3A_509, %get3A_510] {strides = array<i32>} : memref<2x10112xi32, #tpu.memory_space<vmem>>, vector<1x16xi32>,
      %get3A_512 = vector.shape_cast %get3A_511 : vector<1x16xi32> to vector<16xi32>
      %get3A_513 = arith.index_cast %add3A_507 : i32 to index
      %get3A_514 = tpu.vector_load %arg6[%get3A_513] {strides = array<i32>} : memref<10112xi32, #tpu.memory_space<vmem>>, vector<16xi32>,
      %get3A_515 = vector.shape_cast %get3A_514 : vector<16xi32> to vector<16xi32>
      %mul3A_516 = arith.constant 13108 : i32
      %mul3A_517 = vector.broadcast %mul3A_516 : i32 to vector<16xi32>
      %mul3A_518 = arith.muli %get3A_512, %mul3A_517 : vector<16xi32>
      %shift_right_logical3A_519 = arith.constant 25 : i32
      %shift_right_logical3A_520 = vector.broadcast %shift_right_logical3A_519 : i32 to vector<16xi32>
      %shift_right_logical3A_521 = arith.shrui %mul3A_518, %shift_right_logical3A_520 : vector<16xi32>
      %mul3A_522 = arith.constant 128 : i32
      %mul3A_523 = vector.broadcast %mul3A_522 : i32 to vector<16xi32>
      %mul3A_524 = arith.muli %get3A_512, %mul3A_523 : vector<16xi32>
      %add3A_525 = arith.addi %mul3A_524, %get3A_515 : vector<16xi32>
      %mul3A_526 = arith.constant 327648 : i32
      %mul3A_527 = vector.broadcast %mul3A_526 : i32 to vector<16xi32>
      %mul3A_528 = arith.muli %shift_right_logical3A_521, %mul3A_527 : vector<16xi32>
      %sub3A_529 = arith.subi %add3A_525, %mul3A_528 : vector<16xi32>
      %swap3A_530 = arith.index_cast %scan3A_410 : i32 to index
      %swap3A_531 = arith.constant 48 : index
      %swap3A_532 = tpu.vector_load %arg7[%swap3A_530, %swap3A_531] {strides = array<i32>} : memref<79x128xi32, #tpu.memory_space<vmem>>, vector<1x16xi32>,
      %swap3A_533 = vector.shape_cast %swap3A_532 : vector<1x16xi32> to vector<16xi32>
      %swap3A_534 = vector.shape_cast %sub3A_529 : vector<16xi32> to vector<1x16xi32>
      tpu.vector_store %arg7[%swap3A_530, %swap3A_531], %swap3A_534 {strides = array<i32>} : memref<79x128xi32, #tpu.memory_space<vmem>>, vector<1x16xi32>,
      %mul3A_535 = arith.constant 128 : i32
      %mul3A_536 = arith.muli %scan3A_410, %mul3A_535 : i32
      %add3A_537 = arith.constant 64 : i32
      %add3A_538 = arith.addi %mul3A_536, %add3A_537 : i32
      %get3A_539 = arith.constant 1 : i32
      %get3A_540 = arith.index_cast %get3A_539 : i32 to index
      %get3A_541 = arith.index_cast %add3A_538 : i32 to index
      %get3A_542 = tpu.vector_load %arg5[%get3A_540, %get3A_541] {strides = array<i32>} : memref<2x10112xi32, #tpu.memory_space<vmem>>, vector<1x16xi32>,
      %get3A_543 = vector.shape_cast %get3A_542 : vector<1x16xi32> to vector<16xi32>
      %get3A_544 = arith.index_cast %add3A_538 : i32 to index
      %get3A_545 = tpu.vector_load %arg6[%get3A_544] {strides = array<i32>} : memref<10112xi32, #tpu.memory_space<vmem>>, vector<16xi32>,
      %get3A_546 = vector.shape_cast %get3A_545 : vector<16xi32> to vector<16xi32>
      %mul3A_547 = arith.constant 13108 : i32
      %mul3A_548 = vector.broadcast %mul3A_547 : i32 to vector<16xi32>
      %mul3A_549 = arith.muli %get3A_543, %mul3A_548 : vector<16xi32>
      %shift_right_logical3A_550 = arith.constant 25 : i32
      %shift_right_logical3A_551 = vector.broadcast %shift_right_logical3A_550 : i32 to vector<16xi32>
      %shift_right_logical3A_552 = arith.shrui %mul3A_549, %shift_right_logical3A_551 : vector<16xi32>
      %mul3A_553 = arith.constant 128 : i32
      %mul3A_554 = vector.broadcast %mul3A_553 : i32 to vector<16xi32>
      %mul3A_555 = arith.muli %get3A_543, %mul3A_554 : vector<16xi32>
      %add3A_556 = arith.addi %mul3A_555, %get3A_546 : vector<16xi32>
      %mul3A_557 = arith.constant 327648 : i32
      %mul3A_558 = vector.broadcast %mul3A_557 : i32 to vector<16xi32>
      %mul3A_559 = arith.muli %shift_right_logical3A_552, %mul3A_558 : vector<16xi32>
      %sub3A_560 = arith.subi %add3A_556, %mul3A_559 : vector<16xi32>
      %swap3A_561 = arith.index_cast %scan3A_410 : i32 to index
      %swap3A_562 = arith.constant 64 : index
      %swap3A_563 = tpu.vector_load %arg7[%swap3A_561, %swap3A_562] {strides = array<i32>} : memref<79x128xi32, #tpu.memory_space<vmem>>, vector<1x16xi32>,
      %swap3A_564 = vector.shape_cast %swap3A_563 : vector<1x16xi32> to vector<16xi32>
      %swap3A_565 = vector.shape_cast %sub3A_560 : vector<16xi32> to vector<1x16xi32>
      tpu.vector_store %arg7[%swap3A_561, %swap3A_562], %swap3A_565 {strides = array<i32>} : memref<79x128xi32, #tpu.memory_space<vmem>>, vector<1x16xi32>,
      %mul3A_566 = arith.constant 128 : i32
      %mul3A_567 = arith.muli %scan3A_410, %mul3A_566 : i32
      %add3A_568 = arith.constant 80 : i32
      %add3A_569 = arith.addi %mul3A_567, %add3A_568 : i32
      %get3A_570 = arith.constant 1 : i32
      %get3A_571 = arith.index_cast %get3A_570 : i32 to index
      %get3A_572 = arith.index_cast %add3A_569 : i32 to index
      %get3A_573 = tpu.vector_load %arg5[%get3A_571, %get3A_572] {strides = array<i32>} : memref<2x10112xi32, #tpu.memory_space<vmem>>, vector<1x16xi32>,
      %get3A_574 = vector.shape_cast %get3A_573 : vector<1x16xi32> to vector<16xi32>
      %get3A_575 = arith.index_cast %add3A_569 : i32 to index
      %get3A_576 = tpu.vector_load %arg6[%get3A_575] {strides = array<i32>} : memref<10112xi32, #tpu.memory_space<vmem>>, vector<16xi32>,
      %get3A_577 = vector.shape_cast %get3A_576 : vector<16xi32> to vector<16xi32>
      %mul3A_578 = arith.constant 13108 : i32
      %mul3A_579 = vector.broadcast %mul3A_578 : i32 to vector<16xi32>
      %mul3A_580 = arith.muli %get3A_574, %mul3A_579 : vector<16xi32>
      %shift_right_logical3A_581 = arith.constant 25 : i32
      %shift_right_logical3A_582 = vector.broadcast %shift_right_logical3A_581 : i32 to vector<16xi32>
      %shift_right_logical3A_583 = arith.shrui %mul3A_580, %shift_right_logical3A_582 : vector<16xi32>
      %mul3A_584 = arith.constant 128 : i32
      %mul3A_585 = vector.broadcast %mul3A_584 : i32 to vector<16xi32>
      %mul3A_586 = arith.muli %get3A_574, %mul3A_585 : vector<16xi32>
      %add3A_587 = arith.addi %mul3A_586, %get3A_577 : vector<16xi32>
      %mul3A_588 = arith.constant 327648 : i32
      %mul3A_589 = vector.broadcast %mul3A_588 : i32 to vector<16xi32>
      %mul3A_590 = arith.muli %shift_right_logical3A_583, %mul3A_589 : vector<16xi32>
      %sub3A_591 = arith.subi %add3A_587, %mul3A_590 : vector<16xi32>
      %swap3A_592 = arith.index_cast %scan3A_410 : i32 to index
      %swap3A_593 = arith.constant 80 : index
      %swap3A_594 = tpu.vector_load %arg7[%swap3A_592, %swap3A_593] {strides = array<i32>} : memref<79x128xi32, #tpu.memory_space<vmem>>, vector<1x16xi32>,
      %swap3A_595 = vector.shape_cast %swap3A_594 : vector<1x16xi32> to vector<16xi32>
      %swap3A_596 = vector.shape_cast %sub3A_591 : vector<16xi32> to vector<1x16xi32>
      tpu.vector_store %arg7[%swap3A_592, %swap3A_593], %swap3A_596 {strides = array<i32>} : memref<79x128xi32, #tpu.memory_space<vmem>>, vector<1x16xi32>,
      %mul3A_597 = arith.constant 128 : i32
      %mul3A_598 = arith.muli %scan3A_410, %mul3A_597 : i32
      %add3A_599 = arith.constant 96 : i32
      %add3A_600 = arith.addi %mul3A_598, %add3A_599 : i32
      %get3A_601 = arith.constant 1 : i32
      %get3A_602 = arith.index_cast %get3A_601 : i32 to index
      %get3A_603 = arith.index_cast %add3A_600 : i32 to index
      %get3A_604 = tpu.vector_load %arg5[%get3A_602, %get3A_603] {strides = array<i32>} : memref<2x10112xi32, #tpu.memory_space<vmem>>, vector<1x16xi32>,
      %get3A_605 = vector.shape_cast %get3A_604 : vector<1x16xi32> to vector<16xi32>
      %get3A_606 = arith.index_cast %add3A_600 : i32 to index
      %get3A_607 = tpu.vector_load %arg6[%get3A_606] {strides = array<i32>} : memref<10112xi32, #tpu.memory_space<vmem>>, vector<16xi32>,
      %get3A_608 = vector.shape_cast %get3A_607 : vector<16xi32> to vector<16xi32>
      %mul3A_609 = arith.constant 13108 : i32
      %mul3A_610 = vector.broadcast %mul3A_609 : i32 to vector<16xi32>
      %mul3A_611 = arith.muli %get3A_605, %mul3A_610 : vector<16xi32>
      %shift_right_logical3A_612 = arith.constant 25 : i32
      %shift_right_logical3A_613 = vector.broadcast %shift_right_logical3A_612 : i32 to vector<16xi32>
      %shift_right_logical3A_614 = arith.shrui %mul3A_611, %shift_right_logical3A_613 : vector<16xi32>
      %mul3A_615 = arith.constant 128 : i32
      %mul3A_616 = vector.broadcast %mul3A_615 : i32 to vector<16xi32>
      %mul3A_617 = arith.muli %get3A_605, %mul3A_616 : vector<16xi32>
      %add3A_618 = arith.addi %mul3A_617, %get3A_608 : vector<16xi32>
      %mul3A_619 = arith.constant 327648 : i32
      %mul3A_620 = vector.broadcast %mul3A_619 : i32 to vector<16xi32>
      %mul3A_621 = arith.muli %shift_right_logical3A_614, %mul3A_620 : vector<16xi32>
      %sub3A_622 = arith.subi %add3A_618, %mul3A_621 : vector<16xi32>
      %swap3A_623 = arith.index_cast %scan3A_410 : i32 to index
      %swap3A_624 = arith.constant 96 : index
      %swap3A_625 = tpu.vector_load %arg7[%swap3A_623, %swap3A_624] {strides = array<i32>} : memref<79x128xi32, #tpu.memory_space<vmem>>, vector<1x16xi32>,
      %swap3A_626 = vector.shape_cast %swap3A_625 : vector<1x16xi32> to vector<16xi32>
      %swap3A_627 = vector.shape_cast %sub3A_622 : vector<16xi32> to vector<1x16xi32>
      tpu.vector_store %arg7[%swap3A_623, %swap3A_624], %swap3A_627 {strides = array<i32>} : memref<79x128xi32, #tpu.memory_space<vmem>>, vector<1x16xi32>,
      %mul3A_628 = arith.constant 128 : i32
      %mul3A_629 = arith.muli %scan3A_410, %mul3A_628 : i32
      %add3A_630 = arith.constant 112 : i32
      %add3A_631 = arith.addi %mul3A_629, %add3A_630 : i32
      %get3A_632 = arith.constant 1 : i32
      %get3A_633 = arith.index_cast %get3A_632 : i32 to index
      %get3A_634 = arith.index_cast %add3A_631 : i32 to index
      %get3A_635 = tpu.vector_load %arg5[%get3A_633, %get3A_634] {strides = array<i32>} : memref<2x10112xi32, #tpu.memory_space<vmem>>, vector<1x16xi32>,
      %get3A_636 = vector.shape_cast %get3A_635 : vector<1x16xi32> to vector<16xi32>
      %get3A_637 = arith.index_cast %add3A_631 : i32 to index
      %get3A_638 = tpu.vector_load %arg6[%get3A_637] {strides = array<i32>} : memref<10112xi32, #tpu.memory_space<vmem>>, vector<16xi32>,
      %get3A_639 = vector.shape_cast %get3A_638 : vector<16xi32> to vector<16xi32>
      %mul3A_640 = arith.constant 13108 : i32
      %mul3A_641 = vector.broadcast %mul3A_640 : i32 to vector<16xi32>
      %mul3A_642 = arith.muli %get3A_636, %mul3A_641 : vector<16xi32>
      %shift_right_logical3A_643 = arith.constant 25 : i32
      %shift_right_logical3A_644 = vector.broadcast %shift_right_logical3A_643 : i32 to vector<16xi32>
      %shift_right_logical3A_645 = arith.shrui %mul3A_642, %shift_right_logical3A_644 : vector<16xi32>
      %mul3A_646 = arith.constant 128 : i32
      %mul3A_647 = vector.broadcast %mul3A_646 : i32 to vector<16xi32>
      %mul3A_648 = arith.muli %get3A_636, %mul3A_647 : vector<16xi32>
      %add3A_649 = arith.addi %mul3A_648, %get3A_639 : vector<16xi32>
      %mul3A_650 = arith.constant 327648 : i32
      %mul3A_651 = vector.broadcast %mul3A_650 : i32 to vector<16xi32>
      %mul3A_652 = arith.muli %shift_right_logical3A_645, %mul3A_651 : vector<16xi32>
      %sub3A_653 = arith.subi %add3A_649, %mul3A_652 : vector<16xi32>
      %swap3A_654 = arith.index_cast %scan3A_410 : i32 to index
      %swap3A_655 = arith.constant 112 : index
      %swap3A_656 = tpu.vector_load %arg7[%swap3A_654, %swap3A_655] {strides = array<i32>} : memref<79x128xi32, #tpu.memory_space<vmem>>, vector<1x16xi32>,
      %swap3A_657 = vector.shape_cast %swap3A_656 : vector<1x16xi32> to vector<16xi32>
      %swap3A_658 = vector.shape_cast %sub3A_653 : vector<16xi32> to vector<1x16xi32>
      tpu.vector_store %arg7[%swap3A_654, %swap3A_655], %swap3A_658 {strides = array<i32>} : memref<79x128xi32, #tpu.memory_space<vmem>>, vector<1x16xi32>,
      %dma_start3A_659 = arith.constant 0 : i32
      %dma_start3A_660 = tpu.memref_slice %arg7[%scan3A_410, %dma_start3A_659] : memref<79x128xi32, #tpu.memory_space<vmem>> -> memref<1x128xi32, #tpu.memory_space<vmem>>
      %dma_start3A_661 = tpu.memref_squeeze %dma_start3A_660 : memref<1x128xi32, #tpu.memory_space<vmem>> -> memref<128xi32, #tpu.memory_space<vmem>>
      %dma_start3A_662 = arith.constant 0 : i32
      %dma_start3A_663 = tpu.memref_slice %arg11[%dma_start3A_662] : memref<327696xf32, #tpu.memory_space<vmem_shared>> -> memref<327696xf32, #tpu.memory_space<vmem_shared>>
      tpu.enqueue_indirect_dma source(%arg8 : memref<128xf32, #tpu.memory_space<vmem>>) target(%dma_start3A_663 : memref<327696xf32, #tpu.memory_space<vmem_shared>>) offsets(%dma_start3A_661 : memref<128xi32, #tpu.memory_space<vmem>>) semaphore(%arg12 : memref<!tpu.dma_semaphore, #tpu.memory_space<semaphore_mem>>)
    }
    %scan3A_57 = arith.constant 8 : i32
    %scan3A_58 = arith.constant 0 : i32
    %scan3A_59 = arith.constant 8 : i32
    %scan3A_60 = arith.constant 70 : i32
    %scan3A_61 = arith.addi %scan3A_59, %scan3A_60 : i32
    %scan3A_62 = arith.constant 1 : i32
    scf.for %scan3A_410 = %scan3A_59 to %scan3A_61 step %scan3A_62  : i32 {
      %mul3A_411 = arith.constant 128 : i32
      %mul3A_412 = arith.muli %scan3A_410, %mul3A_411 : i32
      %add3A_413 = arith.constant 0 : i32
      %add3A_414 = arith.addi %mul3A_412, %add3A_413 : i32
      %get3A_415 = arith.constant 1 : i32
      %get3A_416 = arith.index_cast %get3A_415 : i32 to index
      %get3A_417 = arith.index_cast %add3A_414 : i32 to index
      %get3A_418 = tpu.vector_load %arg5[%get3A_416, %get3A_417] {strides = array<i32>} : memref<2x10112xi32, #tpu.memory_space<vmem>>, vector<1x16xi32>,
      %get3A_419 = vector.shape_cast %get3A_418 : vector<1x16xi32> to vector<16xi32>
      %get3A_420 = arith.index_cast %add3A_414 : i32 to index
      %get3A_421 = tpu.vector_load %arg6[%get3A_420] {strides = array<i32>} : memref<10112xi32, #tpu.memory_space<vmem>>, vector<16xi32>,
      %get3A_422 = vector.shape_cast %get3A_421 : vector<16xi32> to vector<16xi32>
      %mul3A_423 = arith.constant 13108 : i32
      %mul3A_424 = vector.broadcast %mul3A_423 : i32 to vector<16xi32>
      %mul3A_425 = arith.muli %get3A_419, %mul3A_424 : vector<16xi32>
      %shift_right_logical3A_426 = arith.constant 25 : i32
      %shift_right_logical3A_427 = vector.broadcast %shift_right_logical3A_426 : i32 to vector<16xi32>
      %shift_right_logical3A_428 = arith.shrui %mul3A_425, %shift_right_logical3A_427 : vector<16xi32>
      %mul3A_429 = arith.constant 128 : i32
      %mul3A_430 = vector.broadcast %mul3A_429 : i32 to vector<16xi32>
      %mul3A_431 = arith.muli %get3A_419, %mul3A_430 : vector<16xi32>
      %add3A_432 = arith.addi %mul3A_431, %get3A_422 : vector<16xi32>
      %mul3A_433 = arith.constant 327648 : i32
      %mul3A_434 = vector.broadcast %mul3A_433 : i32 to vector<16xi32>
      %mul3A_435 = arith.muli %shift_right_logical3A_428, %mul3A_434 : vector<16xi32>
      %sub3A_436 = arith.subi %add3A_432, %mul3A_435 : vector<16xi32>
      %swap3A_437 = arith.index_cast %scan3A_410 : i32 to index
      %swap3A_438 = arith.constant 0 : index
      %swap3A_439 = tpu.vector_load %arg7[%swap3A_437, %swap3A_438] {strides = array<i32>} : memref<79x128xi32, #tpu.memory_space<vmem>>, vector<1x16xi32>,
      %swap3A_440 = vector.shape_cast %swap3A_439 : vector<1x16xi32> to vector<16xi32>
      %swap3A_441 = vector.shape_cast %sub3A_436 : vector<16xi32> to vector<1x16xi32>
      tpu.vector_store %arg7[%swap3A_437, %swap3A_438], %swap3A_441 {strides = array<i32>} : memref<79x128xi32, #tpu.memory_space<vmem>>, vector<1x16xi32>,
      %mul3A_442 = arith.constant 128 : i32
      %mul3A_443 = arith.muli %scan3A_410, %mul3A_442 : i32
      %add3A_444 = arith.constant 16 : i32
      %add3A_445 = arith.addi %mul3A_443, %add3A_444 : i32
      %get3A_446 = arith.constant 1 : i32
      %get3A_447 = arith.index_cast %get3A_446 : i32 to index
      %get3A_448 = arith.index_cast %add3A_445 : i32 to index
      %get3A_449 = tpu.vector_load %arg5[%get3A_447, %get3A_448] {strides = array<i32>} : memref<2x10112xi32, #tpu.memory_space<vmem>>, vector<1x16xi32>,
      %get3A_450 = vector.shape_cast %get3A_449 : vector<1x16xi32> to vector<16xi32>
      %get3A_451 = arith.index_cast %add3A_445 : i32 to index
      %get3A_452 = tpu.vector_load %arg6[%get3A_451] {strides = array<i32>} : memref<10112xi32, #tpu.memory_space<vmem>>, vector<16xi32>,
      %get3A_453 = vector.shape_cast %get3A_452 : vector<16xi32> to vector<16xi32>
      %mul3A_454 = arith.constant 13108 : i32
      %mul3A_455 = vector.broadcast %mul3A_454 : i32 to vector<16xi32>
      %mul3A_456 = arith.muli %get3A_450, %mul3A_455 : vector<16xi32>
      %shift_right_logical3A_457 = arith.constant 25 : i32
      %shift_right_logical3A_458 = vector.broadcast %shift_right_logical3A_457 : i32 to vector<16xi32>
      %shift_right_logical3A_459 = arith.shrui %mul3A_456, %shift_right_logical3A_458 : vector<16xi32>
      %mul3A_460 = arith.constant 128 : i32
      %mul3A_461 = vector.broadcast %mul3A_460 : i32 to vector<16xi32>
      %mul3A_462 = arith.muli %get3A_450, %mul3A_461 : vector<16xi32>
      %add3A_463 = arith.addi %mul3A_462, %get3A_453 : vector<16xi32>
      %mul3A_464 = arith.constant 327648 : i32
      %mul3A_465 = vector.broadcast %mul3A_464 : i32 to vector<16xi32>
      %mul3A_466 = arith.muli %shift_right_logical3A_459, %mul3A_465 : vector<16xi32>
      %sub3A_467 = arith.subi %add3A_463, %mul3A_466 : vector<16xi32>
      %swap3A_468 = arith.index_cast %scan3A_410 : i32 to index
      %swap3A_469 = arith.constant 16 : index
      %swap3A_470 = tpu.vector_load %arg7[%swap3A_468, %swap3A_469] {strides = array<i32>} : memref<79x128xi32, #tpu.memory_space<vmem>>, vector<1x16xi32>,
      %swap3A_471 = vector.shape_cast %swap3A_470 : vector<1x16xi32> to vector<16xi32>
      %swap3A_472 = vector.shape_cast %sub3A_467 : vector<16xi32> to vector<1x16xi32>
      tpu.vector_store %arg7[%swap3A_468, %swap3A_469], %swap3A_472 {strides = array<i32>} : memref<79x128xi32, #tpu.memory_space<vmem>>, vector<1x16xi32>,
      %mul3A_473 = arith.constant 128 : i32
      %mul3A_474 = arith.muli %scan3A_410, %mul3A_473 : i32
      %add3A_475 = arith.constant 32 : i32
      %add3A_476 = arith.addi %mul3A_474, %add3A_475 : i32
      %get3A_477 = arith.constant 1 : i32
      %get3A_478 = arith.index_cast %get3A_477 : i32 to index
      %get3A_479 = arith.index_cast %add3A_476 : i32 to index
      %get3A_480 = tpu.vector_load %arg5[%get3A_478, %get3A_479] {strides = array<i32>} : memref<2x10112xi32, #tpu.memory_space<vmem>>, vector<1x16xi32>,
      %get3A_481 = vector.shape_cast %get3A_480 : vector<1x16xi32> to vector<16xi32>
      %get3A_482 = arith.index_cast %add3A_476 : i32 to index
      %get3A_483 = tpu.vector_load %arg6[%get3A_482] {strides = array<i32>} : memref<10112xi32, #tpu.memory_space<vmem>>, vector<16xi32>,
      %get3A_484 = vector.shape_cast %get3A_483 : vector<16xi32> to vector<16xi32>
      %mul3A_485 = arith.constant 13108 : i32
      %mul3A_486 = vector.broadcast %mul3A_485 : i32 to vector<16xi32>
      %mul3A_487 = arith.muli %get3A_481, %mul3A_486 : vector<16xi32>
      %shift_right_logical3A_488 = arith.constant 25 : i32
      %shift_right_logical3A_489 = vector.broadcast %shift_right_logical3A_488 : i32 to vector<16xi32>
      %shift_right_logical3A_490 = arith.shrui %mul3A_487, %shift_right_logical3A_489 : vector<16xi32>
      %mul3A_491 = arith.constant 128 : i32
      %mul3A_492 = vector.broadcast %mul3A_491 : i32 to vector<16xi32>
      %mul3A_493 = arith.muli %get3A_481, %mul3A_492 : vector<16xi32>
      %add3A_494 = arith.addi %mul3A_493, %get3A_484 : vector<16xi32>
      %mul3A_495 = arith.constant 327648 : i32
      %mul3A_496 = vector.broadcast %mul3A_495 : i32 to vector<16xi32>
      %mul3A_497 = arith.muli %shift_right_logical3A_490, %mul3A_496 : vector<16xi32>
      %sub3A_498 = arith.subi %add3A_494, %mul3A_497 : vector<16xi32>
      %swap3A_499 = arith.index_cast %scan3A_410 : i32 to index
      %swap3A_500 = arith.constant 32 : index
      %swap3A_501 = tpu.vector_load %arg7[%swap3A_499, %swap3A_500] {strides = array<i32>} : memref<79x128xi32, #tpu.memory_space<vmem>>, vector<1x16xi32>,
      %swap3A_502 = vector.shape_cast %swap3A_501 : vector<1x16xi32> to vector<16xi32>
      %swap3A_503 = vector.shape_cast %sub3A_498 : vector<16xi32> to vector<1x16xi32>
      tpu.vector_store %arg7[%swap3A_499, %swap3A_500], %swap3A_503 {strides = array<i32>} : memref<79x128xi32, #tpu.memory_space<vmem>>, vector<1x16xi32>,
      %mul3A_504 = arith.constant 128 : i32
      %mul3A_505 = arith.muli %scan3A_410, %mul3A_504 : i32
      %add3A_506 = arith.constant 48 : i32
      %add3A_507 = arith.addi %mul3A_505, %add3A_506 : i32
      %get3A_508 = arith.constant 1 : i32
      %get3A_509 = arith.index_cast %get3A_508 : i32 to index
      %get3A_510 = arith.index_cast %add3A_507 : i32 to index
      %get3A_511 = tpu.vector_load %arg5[%get3A_509, %get3A_510] {strides = array<i32>} : memref<2x10112xi32, #tpu.memory_space<vmem>>, vector<1x16xi32>,
      %get3A_512 = vector.shape_cast %get3A_511 : vector<1x16xi32> to vector<16xi32>
      %get3A_513 = arith.index_cast %add3A_507 : i32 to index
      %get3A_514 = tpu.vector_load %arg6[%get3A_513] {strides = array<i32>} : memref<10112xi32, #tpu.memory_space<vmem>>, vector<16xi32>,
      %get3A_515 = vector.shape_cast %get3A_514 : vector<16xi32> to vector<16xi32>
      %mul3A_516 = arith.constant 13108 : i32
      %mul3A_517 = vector.broadcast %mul3A_516 : i32 to vector<16xi32>
      %mul3A_518 = arith.muli %get3A_512, %mul3A_517 : vector<16xi32>
      %shift_right_logical3A_519 = arith.constant 25 : i32
      %shift_right_logical3A_520 = vector.broadcast %shift_right_logical3A_519 : i32 to vector<16xi32>
      %shift_right_logical3A_521 = arith.shrui %mul3A_518, %shift_right_logical3A_520 : vector<16xi32>
      %mul3A_522 = arith.constant 128 : i32
      %mul3A_523 = vector.broadcast %mul3A_522 : i32 to vector<16xi32>
      %mul3A_524 = arith.muli %get3A_512, %mul3A_523 : vector<16xi32>
      %add3A_525 = arith.addi %mul3A_524, %get3A_515 : vector<16xi32>
      %mul3A_526 = arith.constant 327648 : i32
      %mul3A_527 = vector.broadcast %mul3A_526 : i32 to vector<16xi32>
      %mul3A_528 = arith.muli %shift_right_logical3A_521, %mul3A_527 : vector<16xi32>
      %sub3A_529 = arith.subi %add3A_525, %mul3A_528 : vector<16xi32>
      %swap3A_530 = arith.index_cast %scan3A_410 : i32 to index
      %swap3A_531 = arith.constant 48 : index
      %swap3A_532 = tpu.vector_load %arg7[%swap3A_530, %swap3A_531] {strides = array<i32>} : memref<79x128xi32, #tpu.memory_space<vmem>>, vector<1x16xi32>,
      %swap3A_533 = vector.shape_cast %swap3A_532 : vector<1x16xi32> to vector<16xi32>
      %swap3A_534 = vector.shape_cast %sub3A_529 : vector<16xi32> to vector<1x16xi32>
      tpu.vector_store %arg7[%swap3A_530, %swap3A_531], %swap3A_534 {strides = array<i32>} : memref<79x128xi32, #tpu.memory_space<vmem>>, vector<1x16xi32>,
      %mul3A_535 = arith.constant 128 : i32
      %mul3A_536 = arith.muli %scan3A_410, %mul3A_535 : i32
      %add3A_537 = arith.constant 64 : i32
      %add3A_538 = arith.addi %mul3A_536, %add3A_537 : i32
      %get3A_539 = arith.constant 1 : i32
      %get3A_540 = arith.index_cast %get3A_539 : i32 to index
      %get3A_541 = arith.index_cast %add3A_538 : i32 to index
      %get3A_542 = tpu.vector_load %arg5[%get3A_540, %get3A_541] {strides = array<i32>} : memref<2x10112xi32, #tpu.memory_space<vmem>>, vector<1x16xi32>,
      %get3A_543 = vector.shape_cast %get3A_542 : vector<1x16xi32> to vector<16xi32>
      %get3A_544 = arith.index_cast %add3A_538 : i32 to index
      %get3A_545 = tpu.vector_load %arg6[%get3A_544] {strides = array<i32>} : memref<10112xi32, #tpu.memory_space<vmem>>, vector<16xi32>,
      %get3A_546 = vector.shape_cast %get3A_545 : vector<16xi32> to vector<16xi32>
      %mul3A_547 = arith.constant 13108 : i32
      %mul3A_548 = vector.broadcast %mul3A_547 : i32 to vector<16xi32>
      %mul3A_549 = arith.muli %get3A_543, %mul3A_548 : vector<16xi32>
      %shift_right_logical3A_550 = arith.constant 25 : i32
      %shift_right_logical3A_551 = vector.broadcast %shift_right_logical3A_550 : i32 to vector<16xi32>
      %shift_right_logical3A_552 = arith.shrui %mul3A_549, %shift_right_logical3A_551 : vector<16xi32>
      %mul3A_553 = arith.constant 128 : i32
      %mul3A_554 = vector.broadcast %mul3A_553 : i32 to vector<16xi32>
      %mul3A_555 = arith.muli %get3A_543, %mul3A_554 : vector<16xi32>
      %add3A_556 = arith.addi %mul3A_555, %get3A_546 : vector<16xi32>
      %mul3A_557 = arith.constant 327648 : i32
      %mul3A_558 = vector.broadcast %mul3A_557 : i32 to vector<16xi32>
      %mul3A_559 = arith.muli %shift_right_logical3A_552, %mul3A_558 : vector<16xi32>
      %sub3A_560 = arith.subi %add3A_556, %mul3A_559 : vector<16xi32>
      %swap3A_561 = arith.index_cast %scan3A_410 : i32 to index
      %swap3A_562 = arith.constant 64 : index
      %swap3A_563 = tpu.vector_load %arg7[%swap3A_561, %swap3A_562] {strides = array<i32>} : memref<79x128xi32, #tpu.memory_space<vmem>>, vector<1x16xi32>,
      %swap3A_564 = vector.shape_cast %swap3A_563 : vector<1x16xi32> to vector<16xi32>
      %swap3A_565 = vector.shape_cast %sub3A_560 : vector<16xi32> to vector<1x16xi32>
      tpu.vector_store %arg7[%swap3A_561, %swap3A_562], %swap3A_565 {strides = array<i32>} : memref<79x128xi32, #tpu.memory_space<vmem>>, vector<1x16xi32>,
      %mul3A_566 = arith.constant 128 : i32
      %mul3A_567 = arith.muli %scan3A_410, %mul3A_566 : i32
      %add3A_568 = arith.constant 80 : i32
      %add3A_569 = arith.addi %mul3A_567, %add3A_568 : i32
      %get3A_570 = arith.constant 1 : i32
      %get3A_571 = arith.index_cast %get3A_570 : i32 to index
      %get3A_572 = arith.index_cast %add3A_569 : i32 to index
      %get3A_573 = tpu.vector_load %arg5[%get3A_571, %get3A_572] {strides = array<i32>} : memref<2x10112xi32, #tpu.memory_space<vmem>>, vector<1x16xi32>,
      %get3A_574 = vector.shape_cast %get3A_573 : vector<1x16xi32> to vector<16xi32>
      %get3A_575 = arith.index_cast %add3A_569 : i32 to index
      %get3A_576 = tpu.vector_load %arg6[%get3A_575] {strides = array<i32>} : memref<10112xi32, #tpu.memory_space<vmem>>, vector<16xi32>,
      %get3A_577 = vector.shape_cast %get3A_576 : vector<16xi32> to vector<16xi32>
      %mul3A_578 = arith.constant 13108 : i32
      %mul3A_579 = vector.broadcast %mul3A_578 : i32 to vector<16xi32>
      %mul3A_580 = arith.muli %get3A_574, %mul3A_579 : vector<16xi32>
      %shift_right_logical3A_581 = arith.constant 25 : i32
      %shift_right_logical3A_582 = vector.broadcast %shift_right_logical3A_581 : i32 to vector<16xi32>
      %shift_right_logical3A_583 = arith.shrui %mul3A_580, %shift_right_logical3A_582 : vector<16xi32>
      %mul3A_584 = arith.constant 128 : i32
      %mul3A_585 = vector.broadcast %mul3A_584 : i32 to vector<16xi32>
      %mul3A_586 = arith.muli %get3A_574, %mul3A_585 : vector<16xi32>
      %add3A_587 = arith.addi %mul3A_586, %get3A_577 : vector<16xi32>
      %mul3A_588 = arith.constant 327648 : i32
      %mul3A_589 = vector.broadcast %mul3A_588 : i32 to vector<16xi32>
      %mul3A_590 = arith.muli %shift_right_logical3A_583, %mul3A_589 : vector<16xi32>
      %sub3A_591 = arith.subi %add3A_587, %mul3A_590 : vector<16xi32>
      %swap3A_592 = arith.index_cast %scan3A_410 : i32 to index
      %swap3A_593 = arith.constant 80 : index
      %swap3A_594 = tpu.vector_load %arg7[%swap3A_592, %swap3A_593] {strides = array<i32>} : memref<79x128xi32, #tpu.memory_space<vmem>>, vector<1x16xi32>,
      %swap3A_595 = vector.shape_cast %swap3A_594 : vector<1x16xi32> to vector<16xi32>
      %swap3A_596 = vector.shape_cast %sub3A_591 : vector<16xi32> to vector<1x16xi32>
      tpu.vector_store %arg7[%swap3A_592, %swap3A_593], %swap3A_596 {strides = array<i32>} : memref<79x128xi32, #tpu.memory_space<vmem>>, vector<1x16xi32>,
      %mul3A_597 = arith.constant 128 : i32
      %mul3A_598 = arith.muli %scan3A_410, %mul3A_597 : i32
      %add3A_599 = arith.constant 96 : i32
      %add3A_600 = arith.addi %mul3A_598, %add3A_599 : i32
      %get3A_601 = arith.constant 1 : i32
      %get3A_602 = arith.index_cast %get3A_601 : i32 to index
      %get3A_603 = arith.index_cast %add3A_600 : i32 to index
      %get3A_604 = tpu.vector_load %arg5[%get3A_602, %get3A_603] {strides = array<i32>} : memref<2x10112xi32, #tpu.memory_space<vmem>>, vector<1x16xi32>,
      %get3A_605 = vector.shape_cast %get3A_604 : vector<1x16xi32> to vector<16xi32>
      %get3A_606 = arith.index_cast %add3A_600 : i32 to index
      %get3A_607 = tpu.vector_load %arg6[%get3A_606] {strides = array<i32>} : memref<10112xi32, #tpu.memory_space<vmem>>, vector<16xi32>,
      %get3A_608 = vector.shape_cast %get3A_607 : vector<16xi32> to vector<16xi32>
      %mul3A_609 = arith.constant 13108 : i32
      %mul3A_610 = vector.broadcast %mul3A_609 : i32 to vector<16xi32>
      %mul3A_611 = arith.muli %get3A_605, %mul3A_610 : vector<16xi32>
      %shift_right_logical3A_612 = arith.constant 25 : i32
      %shift_right_logical3A_613 = vector.broadcast %shift_right_logical3A_612 : i32 to vector<16xi32>
      %shift_right_logical3A_614 = arith.shrui %mul3A_611, %shift_right_logical3A_613 : vector<16xi32>
      %mul3A_615 = arith.constant 128 : i32
      %mul3A_616 = vector.broadcast %mul3A_615 : i32 to vector<16xi32>
      %mul3A_617 = arith.muli %get3A_605, %mul3A_616 : vector<16xi32>
      %add3A_618 = arith.addi %mul3A_617, %get3A_608 : vector<16xi32>
      %mul3A_619 = arith.constant 327648 : i32
      %mul3A_620 = vector.broadcast %mul3A_619 : i32 to vector<16xi32>
      %mul3A_621 = arith.muli %shift_right_logical3A_614, %mul3A_620 : vector<16xi32>
      %sub3A_622 = arith.subi %add3A_618, %mul3A_621 : vector<16xi32>
      %swap3A_623 = arith.index_cast %scan3A_410 : i32 to index
      %swap3A_624 = arith.constant 96 : index
      %swap3A_625 = tpu.vector_load %arg7[%swap3A_623, %swap3A_624] {strides = array<i32>} : memref<79x128xi32, #tpu.memory_space<vmem>>, vector<1x16xi32>,
      %swap3A_626 = vector.shape_cast %swap3A_625 : vector<1x16xi32> to vector<16xi32>
      %swap3A_627 = vector.shape_cast %sub3A_622 : vector<16xi32> to vector<1x16xi32>
      tpu.vector_store %arg7[%swap3A_623, %swap3A_624], %swap3A_627 {strides = array<i32>} : memref<79x128xi32, #tpu.memory_space<vmem>>, vector<1x16xi32>,
      %mul3A_628 = arith.constant 128 : i32
      %mul3A_629 = arith.muli %scan3A_410, %mul3A_628 : i32
      %add3A_630 = arith.constant 112 : i32
      %add3A_631 = arith.addi %mul3A_629, %add3A_630 : i32
      %get3A_632 = arith.constant 1 : i32
      %get3A_633 = arith.index_cast %get3A_632 : i32 to index
      %get3A_634 = arith.index_cast %add3A_631 : i32 to index
      %get3A_635 = tpu.vector_load %arg5[%get3A_633, %get3A_634] {strides = array<i32>} : memref<2x10112xi32, #tpu.memory_space<vmem>>, vector<1x16xi32>,
      %get3A_636 = vector.shape_cast %get3A_635 : vector<1x16xi32> to vector<16xi32>
      %get3A_637 = arith.index_cast %add3A_631 : i32 to index
      %get3A_638 = tpu.vector_load %arg6[%get3A_637] {strides = array<i32>} : memref<10112xi32, #tpu.memory_space<vmem>>, vector<16xi32>,
      %get3A_639 = vector.shape_cast %get3A_638 : vector<16xi32> to vector<16xi32>
      %mul3A_640 = arith.constant 13108 : i32
      %mul3A_641 = vector.broadcast %mul3A_640 : i32 to vector<16xi32>
      %mul3A_642 = arith.muli %get3A_636, %mul3A_641 : vector<16xi32>
      %shift_right_logical3A_643 = arith.constant 25 : i32
      %shift_right_logical3A_644 = vector.broadcast %shift_right_logical3A_643 : i32 to vector<16xi32>
      %shift_right_logical3A_645 = arith.shrui %mul3A_642, %shift_right_logical3A_644 : vector<16xi32>
      %mul3A_646 = arith.constant 128 : i32
      %mul3A_647 = vector.broadcast %mul3A_646 : i32 to vector<16xi32>
      %mul3A_648 = arith.muli %get3A_636, %mul3A_647 : vector<16xi32>
      %add3A_649 = arith.addi %mul3A_648, %get3A_639 : vector<16xi32>
      %mul3A_650 = arith.constant 327648 : i32
      %mul3A_651 = vector.broadcast %mul3A_650 : i32 to vector<16xi32>
      %mul3A_652 = arith.muli %shift_right_logical3A_645, %mul3A_651 : vector<16xi32>
      %sub3A_653 = arith.subi %add3A_649, %mul3A_652 : vector<16xi32>
      %swap3A_654 = arith.index_cast %scan3A_410 : i32 to index
      %swap3A_655 = arith.constant 112 : index
      %swap3A_656 = tpu.vector_load %arg7[%swap3A_654, %swap3A_655] {strides = array<i32>} : memref<79x128xi32, #tpu.memory_space<vmem>>, vector<1x16xi32>,
      %swap3A_657 = vector.shape_cast %swap3A_656 : vector<1x16xi32> to vector<16xi32>
      %swap3A_658 = vector.shape_cast %sub3A_653 : vector<16xi32> to vector<1x16xi32>
      tpu.vector_store %arg7[%swap3A_654, %swap3A_655], %swap3A_658 {strides = array<i32>} : memref<79x128xi32, #tpu.memory_space<vmem>>, vector<1x16xi32>,
      %dma_start3A_659 = arith.constant 0 : i32
      %dma_start3A_660 = tpu.memref_slice %arg7[%scan3A_410, %dma_start3A_659] : memref<79x128xi32, #tpu.memory_space<vmem>> -> memref<1x128xi32, #tpu.memory_space<vmem>>
      %dma_start3A_661 = tpu.memref_squeeze %dma_start3A_660 : memref<1x128xi32, #tpu.memory_space<vmem>> -> memref<128xi32, #tpu.memory_space<vmem>>
      %dma_start3A_662 = arith.constant 0 : i32
      %dma_start3A_663 = tpu.memref_slice %arg11[%dma_start3A_662] : memref<327696xf32, #tpu.memory_space<vmem_shared>> -> memref<327696xf32, #tpu.memory_space<vmem_shared>>
      tpu.enqueue_indirect_dma source(%arg8 : memref<128xf32, #tpu.memory_space<vmem>>) target(%dma_start3A_663 : memref<327696xf32, #tpu.memory_space<vmem_shared>>) offsets(%dma_start3A_661 : memref<128xi32, #tpu.memory_space<vmem>>) semaphore(%arg12 : memref<!tpu.dma_semaphore, #tpu.memory_space<semaphore_mem>>)
      %dma_wait3A_664 = arith.constant 0 : i32
      %dma_wait3A_665 = arith.constant 0 : i32
      %dma_wait3A_666 = tpu.memref_slice %arg7[%dma_wait3A_664, %dma_wait3A_665] : memref<79x128xi32, #tpu.memory_space<vmem>> -> memref<1x128xi32, #tpu.memory_space<vmem>>
      %dma_wait3A_667 = tpu.memref_squeeze %dma_wait3A_666 : memref<1x128xi32, #tpu.memory_space<vmem>> -> memref<128xi32, #tpu.memory_space<vmem>>
      %dma_wait3A_668 = arith.constant 0 : i32
      %dma_wait3A_669 = tpu.memref_slice %arg11[%dma_wait3A_668] : memref<327696xf32, #tpu.memory_space<vmem_shared>> -> memref<327696xf32, #tpu.memory_space<vmem_shared>>
      tpu.wait_indirect_dma semaphore(%arg12 : memref<!tpu.dma_semaphore, #tpu.memory_space<semaphore_mem>>) src(%arg8 : memref<128xf32, #tpu.memory_space<vmem>>) dst(%dma_wait3A_669 : memref<327696xf32, #tpu.memory_space<vmem_shared>>)
    }
    %scan3A_63 = arith.constant 70 : i32
    %get3A = arith.constant 1 : i32
    %get3A_64 = arith.index_cast %get3A : i32 to index
    %get3A_65 = arith.constant 9984 : index
    %get3A_66 = tpu.vector_load %arg5[%get3A_64, %get3A_65] {strides = array<i32>} : memref<2x10112xi32, #tpu.memory_space<vmem>>, vector<1x16xi32>,
    %get3A_67 = vector.shape_cast %get3A_66 : vector<1x16xi32> to vector<16xi32>
    %get3A_68 = arith.constant 9984 : index
    %get3A_69 = tpu.vector_load %arg6[%get3A_68] {strides = array<i32>} : memref<10112xi32, #tpu.memory_space<vmem>>, vector<16xi32>,
    %get3A_70 = vector.shape_cast %get3A_69 : vector<16xi32> to vector<16xi32>
    %mul3A_71 = arith.constant 13108 : i32
    %mul3A_72 = vector.broadcast %mul3A_71 : i32 to vector<16xi32>
    %mul3A_73 = arith.muli %get3A_67, %mul3A_72 : vector<16xi32>
    %shift_right_logical3A = arith.constant 25 : i32
    %shift_right_logical3A_74 = vector.broadcast %shift_right_logical3A : i32 to vector<16xi32>
    %shift_right_logical3A_75 = arith.shrui %mul3A_73, %shift_right_logical3A_74 : vector<16xi32>
    %mul3A_76 = arith.constant 128 : i32
    %mul3A_77 = vector.broadcast %mul3A_76 : i32 to vector<16xi32>
    %mul3A_78 = arith.muli %get3A_67, %mul3A_77 : vector<16xi32>
    %add3A_79 = arith.addi %mul3A_78, %get3A_70 : vector<16xi32>
    %mul3A_80 = arith.constant 327648 : i32
    %mul3A_81 = vector.broadcast %mul3A_80 : i32 to vector<16xi32>
    %mul3A_82 = arith.muli %shift_right_logical3A_75, %mul3A_81 : vector<16xi32>
    %sub3A_83 = arith.subi %add3A_79, %mul3A_82 : vector<16xi32>
    %swap3A = arith.constant 78 : i32
    %swap3A_84 = arith.index_cast %swap3A : i32 to index
    %swap3A_85 = arith.constant 0 : index
    %swap3A_86 = tpu.vector_load %arg7[%swap3A_84, %swap3A_85] {strides = array<i32>} : memref<79x128xi32, #tpu.memory_space<vmem>>, vector<1x16xi32>,
    %swap3A_87 = vector.shape_cast %swap3A_86 : vector<1x16xi32> to vector<16xi32>
    %swap3A_88 = vector.shape_cast %sub3A_83 : vector<16xi32> to vector<1x16xi32>
    tpu.vector_store %arg7[%swap3A_84, %swap3A_85], %swap3A_88 {strides = array<i32>} : memref<79x128xi32, #tpu.memory_space<vmem>>, vector<1x16xi32>,
    %get3A_89 = arith.constant 1 : i32
    %get3A_90 = arith.index_cast %get3A_89 : i32 to index
    %get3A_91 = arith.constant 10000 : index
    %get3A_92 = tpu.vector_load %arg5[%get3A_90, %get3A_91] {strides = array<i32>} : memref<2x10112xi32, #tpu.memory_space<vmem>>, vector<1x16xi32>,
    %get3A_93 = vector.shape_cast %get3A_92 : vector<1x16xi32> to vector<16xi32>
    %get3A_94 = arith.constant 10000 : index
    %get3A_95 = tpu.vector_load %arg6[%get3A_94] {strides = array<i32>} : memref<10112xi32, #tpu.memory_space<vmem>>, vector<16xi32>,
    %get3A_96 = vector.shape_cast %get3A_95 : vector<16xi32> to vector<16xi32>
    %mul3A_97 = arith.constant 13108 : i32
    %mul3A_98 = vector.broadcast %mul3A_97 : i32 to vector<16xi32>
    %mul3A_99 = arith.muli %get3A_93, %mul3A_98 : vector<16xi32>
    %shift_right_logical3A_100 = arith.constant 25 : i32
    %shift_right_logical3A_101 = vector.broadcast %shift_right_logical3A_100 : i32 to vector<16xi32>
    %shift_right_logical3A_102 = arith.shrui %mul3A_99, %shift_right_logical3A_101 : vector<16xi32>
    %mul3A_103 = arith.constant 128 : i32
    %mul3A_104 = vector.broadcast %mul3A_103 : i32 to vector<16xi32>
    %mul3A_105 = arith.muli %get3A_93, %mul3A_104 : vector<16xi32>
    %add3A_106 = arith.addi %mul3A_105, %get3A_96 : vector<16xi32>
    %mul3A_107 = arith.constant 327648 : i32
    %mul3A_108 = vector.broadcast %mul3A_107 : i32 to vector<16xi32>
    %mul3A_109 = arith.muli %shift_right_logical3A_102, %mul3A_108 : vector<16xi32>
    %sub3A_110 = arith.subi %add3A_106, %mul3A_109 : vector<16xi32>
    %swap3A_111 = arith.constant 78 : i32
    %swap3A_112 = arith.index_cast %swap3A_111 : i32 to index
    %swap3A_113 = arith.constant 16 : index
    %swap3A_114 = tpu.vector_load %arg7[%swap3A_112, %swap3A_113] {strides = array<i32>} : memref<79x128xi32, #tpu.memory_space<vmem>>, vector<1x16xi32>,
    %swap3A_115 = vector.shape_cast %swap3A_114 : vector<1x16xi32> to vector<16xi32>
    %swap3A_116 = vector.shape_cast %sub3A_110 : vector<16xi32> to vector<1x16xi32>
    tpu.vector_store %arg7[%swap3A_112, %swap3A_113], %swap3A_116 {strides = array<i32>} : memref<79x128xi32, #tpu.memory_space<vmem>>, vector<1x16xi32>,
    %get3A_117 = arith.constant 1 : i32
    %get3A_118 = arith.index_cast %get3A_117 : i32 to index
    %get3A_119 = arith.constant 10016 : index
    %get3A_120 = tpu.vector_load %arg5[%get3A_118, %get3A_119] {strides = array<i32>} : memref<2x10112xi32, #tpu.memory_space<vmem>>, vector<1x16xi32>,
    %get3A_121 = vector.shape_cast %get3A_120 : vector<1x16xi32> to vector<16xi32>
    %get3A_122 = arith.constant 10016 : index
    %get3A_123 = tpu.vector_load %arg6[%get3A_122] {strides = array<i32>} : memref<10112xi32, #tpu.memory_space<vmem>>, vector<16xi32>,
    %get3A_124 = vector.shape_cast %get3A_123 : vector<16xi32> to vector<16xi32>
    %mul3A_125 = arith.constant 13108 : i32
    %mul3A_126 = vector.broadcast %mul3A_125 : i32 to vector<16xi32>
    %mul3A_127 = arith.muli %get3A_121, %mul3A_126 : vector<16xi32>
    %shift_right_logical3A_128 = arith.constant 25 : i32
    %shift_right_logical3A_129 = vector.broadcast %shift_right_logical3A_128 : i32 to vector<16xi32>
    %shift_right_logical3A_130 = arith.shrui %mul3A_127, %shift_right_logical3A_129 : vector<16xi32>
    %mul3A_131 = arith.constant 128 : i32
    %mul3A_132 = vector.broadcast %mul3A_131 : i32 to vector<16xi32>
    %mul3A_133 = arith.muli %get3A_121, %mul3A_132 : vector<16xi32>
    %add3A_134 = arith.addi %mul3A_133, %get3A_124 : vector<16xi32>
    %mul3A_135 = arith.constant 327648 : i32
    %mul3A_136 = vector.broadcast %mul3A_135 : i32 to vector<16xi32>
    %mul3A_137 = arith.muli %shift_right_logical3A_130, %mul3A_136 : vector<16xi32>
    %sub3A_138 = arith.subi %add3A_134, %mul3A_137 : vector<16xi32>
    %swap3A_139 = arith.constant 78 : i32
    %swap3A_140 = arith.index_cast %swap3A_139 : i32 to index
    %swap3A_141 = arith.constant 32 : index
    %swap3A_142 = tpu.vector_load %arg7[%swap3A_140, %swap3A_141] {strides = array<i32>} : memref<79x128xi32, #tpu.memory_space<vmem>>, vector<1x16xi32>,
    %swap3A_143 = vector.shape_cast %swap3A_142 : vector<1x16xi32> to vector<16xi32>
    %swap3A_144 = vector.shape_cast %sub3A_138 : vector<16xi32> to vector<1x16xi32>
    tpu.vector_store %arg7[%swap3A_140, %swap3A_141], %swap3A_144 {strides = array<i32>} : memref<79x128xi32, #tpu.memory_space<vmem>>, vector<1x16xi32>,
    %get3A_145 = arith.constant 1 : i32
    %get3A_146 = arith.index_cast %get3A_145 : i32 to index
    %get3A_147 = arith.constant 10032 : index
    %get3A_148 = tpu.vector_load %arg5[%get3A_146, %get3A_147] {strides = array<i32>} : memref<2x10112xi32, #tpu.memory_space<vmem>>, vector<1x16xi32>,
    %get3A_149 = vector.shape_cast %get3A_148 : vector<1x16xi32> to vector<16xi32>
    %get3A_150 = arith.constant 10032 : index
    %get3A_151 = tpu.vector_load %arg6[%get3A_150] {strides = array<i32>} : memref<10112xi32, #tpu.memory_space<vmem>>, vector<16xi32>,
    %get3A_152 = vector.shape_cast %get3A_151 : vector<16xi32> to vector<16xi32>
    %mul3A_153 = arith.constant 13108 : i32
    %mul3A_154 = vector.broadcast %mul3A_153 : i32 to vector<16xi32>
    %mul3A_155 = arith.muli %get3A_149, %mul3A_154 : vector<16xi32>
    %shift_right_logical3A_156 = arith.constant 25 : i32
    %shift_right_logical3A_157 = vector.broadcast %shift_right_logical3A_156 : i32 to vector<16xi32>
    %shift_right_logical3A_158 = arith.shrui %mul3A_155, %shift_right_logical3A_157 : vector<16xi32>
    %mul3A_159 = arith.constant 128 : i32
    %mul3A_160 = vector.broadcast %mul3A_159 : i32 to vector<16xi32>
    %mul3A_161 = arith.muli %get3A_149, %mul3A_160 : vector<16xi32>
    %add3A_162 = arith.addi %mul3A_161, %get3A_152 : vector<16xi32>
    %mul3A_163 = arith.constant 327648 : i32
    %mul3A_164 = vector.broadcast %mul3A_163 : i32 to vector<16xi32>
    %mul3A_165 = arith.muli %shift_right_logical3A_158, %mul3A_164 : vector<16xi32>
    %sub3A_166 = arith.subi %add3A_162, %mul3A_165 : vector<16xi32>
    %swap3A_167 = arith.constant 78 : i32
    %swap3A_168 = arith.index_cast %swap3A_167 : i32 to index
    %swap3A_169 = arith.constant 48 : index
    %swap3A_170 = tpu.vector_load %arg7[%swap3A_168, %swap3A_169] {strides = array<i32>} : memref<79x128xi32, #tpu.memory_space<vmem>>, vector<1x16xi32>,
    %swap3A_171 = vector.shape_cast %swap3A_170 : vector<1x16xi32> to vector<16xi32>
    %swap3A_172 = vector.shape_cast %sub3A_166 : vector<16xi32> to vector<1x16xi32>
    tpu.vector_store %arg7[%swap3A_168, %swap3A_169], %swap3A_172 {strides = array<i32>} : memref<79x128xi32, #tpu.memory_space<vmem>>, vector<1x16xi32>,
    %get3A_173 = arith.constant 1 : i32
    %get3A_174 = arith.index_cast %get3A_173 : i32 to index
    %get3A_175 = arith.constant 10048 : index
    %get3A_176 = tpu.vector_load %arg5[%get3A_174, %get3A_175] {strides = array<i32>} : memref<2x10112xi32, #tpu.memory_space<vmem>>, vector<1x16xi32>,
    %get3A_177 = vector.shape_cast %get3A_176 : vector<1x16xi32> to vector<16xi32>
    %get3A_178 = arith.constant 10048 : index
    %get3A_179 = tpu.vector_load %arg6[%get3A_178] {strides = array<i32>} : memref<10112xi32, #tpu.memory_space<vmem>>, vector<16xi32>,
    %get3A_180 = vector.shape_cast %get3A_179 : vector<16xi32> to vector<16xi32>
    %mul3A_181 = arith.constant 13108 : i32
    %mul3A_182 = vector.broadcast %mul3A_181 : i32 to vector<16xi32>
    %mul3A_183 = arith.muli %get3A_177, %mul3A_182 : vector<16xi32>
    %shift_right_logical3A_184 = arith.constant 25 : i32
    %shift_right_logical3A_185 = vector.broadcast %shift_right_logical3A_184 : i32 to vector<16xi32>
    %shift_right_logical3A_186 = arith.shrui %mul3A_183, %shift_right_logical3A_185 : vector<16xi32>
    %mul3A_187 = arith.constant 128 : i32
    %mul3A_188 = vector.broadcast %mul3A_187 : i32 to vector<16xi32>
    %mul3A_189 = arith.muli %get3A_177, %mul3A_188 : vector<16xi32>
    %add3A_190 = arith.addi %mul3A_189, %get3A_180 : vector<16xi32>
    %mul3A_191 = arith.constant 327648 : i32
    %mul3A_192 = vector.broadcast %mul3A_191 : i32 to vector<16xi32>
    %mul3A_193 = arith.muli %shift_right_logical3A_186, %mul3A_192 : vector<16xi32>
    %sub3A_194 = arith.subi %add3A_190, %mul3A_193 : vector<16xi32>
    %swap3A_195 = arith.constant 78 : i32
    %swap3A_196 = arith.index_cast %swap3A_195 : i32 to index
    %swap3A_197 = arith.constant 64 : index
    %swap3A_198 = tpu.vector_load %arg7[%swap3A_196, %swap3A_197] {strides = array<i32>} : memref<79x128xi32, #tpu.memory_space<vmem>>, vector<1x16xi32>,
    %swap3A_199 = vector.shape_cast %swap3A_198 : vector<1x16xi32> to vector<16xi32>
    %swap3A_200 = vector.shape_cast %sub3A_194 : vector<16xi32> to vector<1x16xi32>
    tpu.vector_store %arg7[%swap3A_196, %swap3A_197], %swap3A_200 {strides = array<i32>} : memref<79x128xi32, #tpu.memory_space<vmem>>, vector<1x16xi32>,
    %get3A_201 = arith.constant 1 : i32
    %get3A_202 = arith.index_cast %get3A_201 : i32 to index
    %get3A_203 = arith.constant 10064 : index
    %get3A_204 = tpu.vector_load %arg5[%get3A_202, %get3A_203] {strides = array<i32>} : memref<2x10112xi32, #tpu.memory_space<vmem>>, vector<1x16xi32>,
    %get3A_205 = vector.shape_cast %get3A_204 : vector<1x16xi32> to vector<16xi32>
    %get3A_206 = arith.constant 10064 : index
    %get3A_207 = tpu.vector_load %arg6[%get3A_206] {strides = array<i32>} : memref<10112xi32, #tpu.memory_space<vmem>>, vector<16xi32>,
    %get3A_208 = vector.shape_cast %get3A_207 : vector<16xi32> to vector<16xi32>
    %mul3A_209 = arith.constant 13108 : i32
    %mul3A_210 = vector.broadcast %mul3A_209 : i32 to vector<16xi32>
    %mul3A_211 = arith.muli %get3A_205, %mul3A_210 : vector<16xi32>
    %shift_right_logical3A_212 = arith.constant 25 : i32
    %shift_right_logical3A_213 = vector.broadcast %shift_right_logical3A_212 : i32 to vector<16xi32>
    %shift_right_logical3A_214 = arith.shrui %mul3A_211, %shift_right_logical3A_213 : vector<16xi32>
    %mul3A_215 = arith.constant 128 : i32
    %mul3A_216 = vector.broadcast %mul3A_215 : i32 to vector<16xi32>
    %mul3A_217 = arith.muli %get3A_205, %mul3A_216 : vector<16xi32>
    %add3A_218 = arith.addi %mul3A_217, %get3A_208 : vector<16xi32>
    %mul3A_219 = arith.constant 327648 : i32
    %mul3A_220 = vector.broadcast %mul3A_219 : i32 to vector<16xi32>
    %mul3A_221 = arith.muli %shift_right_logical3A_214, %mul3A_220 : vector<16xi32>
    %sub3A_222 = arith.subi %add3A_218, %mul3A_221 : vector<16xi32>
    %swap3A_223 = arith.constant 78 : i32
    %swap3A_224 = arith.index_cast %swap3A_223 : i32 to index
    %swap3A_225 = arith.constant 80 : index
    %swap3A_226 = tpu.vector_load %arg7[%swap3A_224, %swap3A_225] {strides = array<i32>} : memref<79x128xi32, #tpu.memory_space<vmem>>, vector<1x16xi32>,
    %swap3A_227 = vector.shape_cast %swap3A_226 : vector<1x16xi32> to vector<16xi32>
    %swap3A_228 = vector.shape_cast %sub3A_222 : vector<16xi32> to vector<1x16xi32>
    tpu.vector_store %arg7[%swap3A_224, %swap3A_225], %swap3A_228 {strides = array<i32>} : memref<79x128xi32, #tpu.memory_space<vmem>>, vector<1x16xi32>,
    %get3A_229 = arith.constant 1 : i32
    %get3A_230 = arith.index_cast %get3A_229 : i32 to index
    %get3A_231 = arith.constant 10080 : index
    %get3A_232 = tpu.vector_load %arg5[%get3A_230, %get3A_231] {strides = array<i32>} : memref<2x10112xi32, #tpu.memory_space<vmem>>, vector<1x16xi32>,
    %get3A_233 = vector.shape_cast %get3A_232 : vector<1x16xi32> to vector<16xi32>
    %get3A_234 = arith.constant 10080 : index
    %get3A_235 = tpu.vector_load %arg6[%get3A_234] {strides = array<i32>} : memref<10112xi32, #tpu.memory_space<vmem>>, vector<16xi32>,
    %get3A_236 = vector.shape_cast %get3A_235 : vector<16xi32> to vector<16xi32>
    %mul3A_237 = arith.constant 13108 : i32
    %mul3A_238 = vector.broadcast %mul3A_237 : i32 to vector<16xi32>
    %mul3A_239 = arith.muli %get3A_233, %mul3A_238 : vector<16xi32>
    %shift_right_logical3A_240 = arith.constant 25 : i32
    %shift_right_logical3A_241 = vector.broadcast %shift_right_logical3A_240 : i32 to vector<16xi32>
    %shift_right_logical3A_242 = arith.shrui %mul3A_239, %shift_right_logical3A_241 : vector<16xi32>
    %mul3A_243 = arith.constant 128 : i32
    %mul3A_244 = vector.broadcast %mul3A_243 : i32 to vector<16xi32>
    %mul3A_245 = arith.muli %get3A_233, %mul3A_244 : vector<16xi32>
    %add3A_246 = arith.addi %mul3A_245, %get3A_236 : vector<16xi32>
    %mul3A_247 = arith.constant 327648 : i32
    %mul3A_248 = vector.broadcast %mul3A_247 : i32 to vector<16xi32>
    %mul3A_249 = arith.muli %shift_right_logical3A_242, %mul3A_248 : vector<16xi32>
    %sub3A_250 = arith.subi %add3A_246, %mul3A_249 : vector<16xi32>
    %swap3A_251 = arith.constant 78 : i32
    %swap3A_252 = arith.index_cast %swap3A_251 : i32 to index
    %swap3A_253 = arith.constant 96 : index
    %swap3A_254 = tpu.vector_load %arg7[%swap3A_252, %swap3A_253] {strides = array<i32>} : memref<79x128xi32, #tpu.memory_space<vmem>>, vector<1x16xi32>,
    %swap3A_255 = vector.shape_cast %swap3A_254 : vector<1x16xi32> to vector<16xi32>
    %swap3A_256 = vector.shape_cast %sub3A_250 : vector<16xi32> to vector<1x16xi32>
    tpu.vector_store %arg7[%swap3A_252, %swap3A_253], %swap3A_256 {strides = array<i32>} : memref<79x128xi32, #tpu.memory_space<vmem>>, vector<1x16xi32>,
    %get3A_257 = arith.constant 1 : i32
    %get3A_258 = arith.index_cast %get3A_257 : i32 to index
    %get3A_259 = arith.constant 10096 : index
    %get3A_260 = tpu.vector_load %arg5[%get3A_258, %get3A_259] {strides = array<i32>} : memref<2x10112xi32, #tpu.memory_space<vmem>>, vector<1x16xi32>,
    %get3A_261 = vector.shape_cast %get3A_260 : vector<1x16xi32> to vector<16xi32>
    %get3A_262 = arith.constant 10096 : index
    %get3A_263 = tpu.vector_load %arg6[%get3A_262] {strides = array<i32>} : memref<10112xi32, #tpu.memory_space<vmem>>, vector<16xi32>,
    %get3A_264 = vector.shape_cast %get3A_263 : vector<16xi32> to vector<16xi32>
    %mul3A_265 = arith.constant 13108 : i32
    %mul3A_266 = vector.broadcast %mul3A_265 : i32 to vector<16xi32>
    %mul3A_267 = arith.muli %get3A_261, %mul3A_266 : vector<16xi32>
    %shift_right_logical3A_268 = arith.constant 25 : i32
    %shift_right_logical3A_269 = vector.broadcast %shift_right_logical3A_268 : i32 to vector<16xi32>
    %shift_right_logical3A_270 = arith.shrui %mul3A_267, %shift_right_logical3A_269 : vector<16xi32>
    %mul3A_271 = arith.constant 128 : i32
    %mul3A_272 = vector.broadcast %mul3A_271 : i32 to vector<16xi32>
    %mul3A_273 = arith.muli %get3A_261, %mul3A_272 : vector<16xi32>
    %add3A_274 = arith.addi %mul3A_273, %get3A_264 : vector<16xi32>
    %mul3A_275 = arith.constant 327648 : i32
    %mul3A_276 = vector.broadcast %mul3A_275 : i32 to vector<16xi32>
    %mul3A_277 = arith.muli %shift_right_logical3A_270, %mul3A_276 : vector<16xi32>
    %sub3A_278 = arith.subi %add3A_274, %mul3A_277 : vector<16xi32>
    %swap3A_279 = arith.constant 78 : i32
    %swap3A_280 = arith.index_cast %swap3A_279 : i32 to index
    %swap3A_281 = arith.constant 112 : index
    %swap3A_282 = tpu.vector_load %arg7[%swap3A_280, %swap3A_281] {strides = array<i32>} : memref<79x128xi32, #tpu.memory_space<vmem>>, vector<1x16xi32>,
    %swap3A_283 = vector.shape_cast %swap3A_282 : vector<1x16xi32> to vector<16xi32>
    %swap3A_284 = vector.shape_cast %sub3A_278 : vector<16xi32> to vector<1x16xi32>
    tpu.vector_store %arg7[%swap3A_280, %swap3A_281], %swap3A_284 {strides = array<i32>} : memref<79x128xi32, #tpu.memory_space<vmem>>, vector<1x16xi32>,
    %broadcast_in_dim3A_285 = arith.constant 327680 : i32
    %broadcast_in_dim3A_286 = vector.broadcast %broadcast_in_dim3A_285 : i32 to vector<16xi32>
    %lt3A = arith.constant 28 : i32
    %lt3A_287 = arith.cmpi slt, %add3A, %lt3A : i32
    %convert_element_type3A = arith.extui %lt3A_287 : i1 to i32
    %cond3A = arith.constant 0 : i32
    %cond3A_288 = arith.cmpi ne, %convert_element_type3A, %cond3A : i32
    scf.if %cond3A_288 {
      %scan3A_410 = arith.constant 0 : i32
      %scan3A_411 = arith.constant 0 : i32
      %scan3A_412 = arith.constant 8 : i32
      %scan3A_413 = arith.addi %scan3A_411, %scan3A_412 : i32
      %scan3A_414 = arith.constant 1 : i32
      scf.for %scan3A_416 = %scan3A_411 to %scan3A_413 step %scan3A_414  : i32 {
        %mul3A_417 = arith.constant 16 : i32
        %mul3A_418 = arith.muli %scan3A_416, %mul3A_417 : i32
        %swap3A_419 = arith.constant 78 : i32
        %swap3A_420 = arith.index_cast %swap3A_419 : i32 to index
        %swap3A_421 = arith.index_cast %mul3A_418 : i32 to index
        %swap3A_422 = tpu.vector_load %arg7[%swap3A_420, %swap3A_421] {strides = array<i32>} : memref<79x128xi32, #tpu.memory_space<vmem>>, vector<1x16xi32>,
        %swap3A_423 = vector.shape_cast %swap3A_422 : vector<1x16xi32> to vector<16xi32>
        %swap3A_424 = vector.shape_cast %broadcast_in_dim3A_286 : vector<16xi32> to vector<1x16xi32>
        tpu.vector_store %arg7[%swap3A_420, %swap3A_421], %swap3A_424 {strides = array<i32>} : memref<79x128xi32, #tpu.memory_space<vmem>>, vector<1x16xi32>,
      }
      %scan3A_415 = arith.constant 8 : i32
    } else {
    }
    %dma_start3A_289 = arith.constant 78 : i32
    %dma_start3A_290 = arith.constant 0 : i32
    %dma_start3A_291 = tpu.memref_slice %arg7[%dma_start3A_289, %dma_start3A_290] : memref<79x128xi32, #tpu.memory_space<vmem>> -> memref<1x128xi32, #tpu.memory_space<vmem>>
    %dma_start3A_292 = tpu.memref_squeeze %dma_start3A_291 : memref<1x128xi32, #tpu.memory_space<vmem>> -> memref<128xi32, #tpu.memory_space<vmem>>
    %dma_start3A_293 = arith.constant 0 : i32
    %dma_start3A_294 = tpu.memref_slice %arg11[%dma_start3A_293] : memref<327696xf32, #tpu.memory_space<vmem_shared>> -> memref<327696xf32, #tpu.memory_space<vmem_shared>>
    tpu.enqueue_indirect_dma source(%arg8 : memref<128xf32, #tpu.memory_space<vmem>>) target(%dma_start3A_294 : memref<327696xf32, #tpu.memory_space<vmem_shared>>) offsets(%dma_start3A_292 : memref<128xi32, #tpu.memory_space<vmem>>) semaphore(%arg12 : memref<!tpu.dma_semaphore, #tpu.memory_space<semaphore_mem>>)
    %dma_wait3A_295 = arith.constant 0 : i32
    %dma_wait3A_296 = arith.constant 0 : i32
    %dma_wait3A_297 = tpu.memref_slice %arg7[%dma_wait3A_295, %dma_wait3A_296] : memref<79x128xi32, #tpu.memory_space<vmem>> -> memref<1x128xi32, #tpu.memory_space<vmem>>
    %dma_wait3A_298 = tpu.memref_squeeze %dma_wait3A_297 : memref<1x128xi32, #tpu.memory_space<vmem>> -> memref<128xi32, #tpu.memory_space<vmem>>
    %dma_wait3A_299 = arith.constant 0 : i32
    %dma_wait3A_300 = tpu.memref_slice %arg11[%dma_wait3A_299] : memref<327696xf32, #tpu.memory_space<vmem_shared>> -> memref<327696xf32, #tpu.memory_space<vmem_shared>>
    tpu.wait_indirect_dma semaphore(%arg12 : memref<!tpu.dma_semaphore, #tpu.memory_space<semaphore_mem>>) src(%arg8 : memref<128xf32, #tpu.memory_space<vmem>>) dst(%dma_wait3A_300 : memref<327696xf32, #tpu.memory_space<vmem_shared>>)
    %dma_wait3A_301 = arith.constant 0 : i32
    %dma_wait3A_302 = arith.constant 0 : i32
    %dma_wait3A_303 = tpu.memref_slice %arg7[%dma_wait3A_301, %dma_wait3A_302] : memref<79x128xi32, #tpu.memory_space<vmem>> -> memref<1x128xi32, #tpu.memory_space<vmem>>
    %dma_wait3A_304 = tpu.memref_squeeze %dma_wait3A_303 : memref<1x128xi32, #tpu.memory_space<vmem>> -> memref<128xi32, #tpu.memory_space<vmem>>
    %dma_wait3A_305 = arith.constant 0 : i32
    %dma_wait3A_306 = tpu.memref_slice %arg11[%dma_wait3A_305] : memref<327696xf32, #tpu.memory_space<vmem_shared>> -> memref<327696xf32, #tpu.memory_space<vmem_shared>>
    tpu.wait_indirect_dma semaphore(%arg12 : memref<!tpu.dma_semaphore, #tpu.memory_space<semaphore_mem>>) src(%arg8 : memref<128xf32, #tpu.memory_space<vmem>>) dst(%dma_wait3A_306 : memref<327696xf32, #tpu.memory_space<vmem_shared>>)
    %dma_wait3A_307 = arith.constant 0 : i32
    %dma_wait3A_308 = arith.constant 0 : i32
    %dma_wait3A_309 = tpu.memref_slice %arg7[%dma_wait3A_307, %dma_wait3A_308] : memref<79x128xi32, #tpu.memory_space<vmem>> -> memref<1x128xi32, #tpu.memory_space<vmem>>
    %dma_wait3A_310 = tpu.memref_squeeze %dma_wait3A_309 : memref<1x128xi32, #tpu.memory_space<vmem>> -> memref<128xi32, #tpu.memory_space<vmem>>
    %dma_wait3A_311 = arith.constant 0 : i32
    %dma_wait3A_312 = tpu.memref_slice %arg11[%dma_wait3A_311] : memref<327696xf32, #tpu.memory_space<vmem_shared>> -> memref<327696xf32, #tpu.memory_space<vmem_shared>>
    tpu.wait_indirect_dma semaphore(%arg12 : memref<!tpu.dma_semaphore, #tpu.memory_space<semaphore_mem>>) src(%arg8 : memref<128xf32, #tpu.memory_space<vmem>>) dst(%dma_wait3A_312 : memref<327696xf32, #tpu.memory_space<vmem_shared>>)
    %dma_wait3A_313 = arith.constant 0 : i32
    %dma_wait3A_314 = arith.constant 0 : i32
    %dma_wait3A_315 = tpu.memref_slice %arg7[%dma_wait3A_313, %dma_wait3A_314] : memref<79x128xi32, #tpu.memory_space<vmem>> -> memref<1x128xi32, #tpu.memory_space<vmem>>
    %dma_wait3A_316 = tpu.memref_squeeze %dma_wait3A_315 : memref<1x128xi32, #tpu.memory_space<vmem>> -> memref<128xi32, #tpu.memory_space<vmem>>
    %dma_wait3A_317 = arith.constant 0 : i32
    %dma_wait3A_318 = tpu.memref_slice %arg11[%dma_wait3A_317] : memref<327696xf32, #tpu.memory_space<vmem_shared>> -> memref<327696xf32, #tpu.memory_space<vmem_shared>>
    tpu.wait_indirect_dma semaphore(%arg12 : memref<!tpu.dma_semaphore, #tpu.memory_space<semaphore_mem>>) src(%arg8 : memref<128xf32, #tpu.memory_space<vmem>>) dst(%dma_wait3A_318 : memref<327696xf32, #tpu.memory_space<vmem_shared>>)
    %dma_wait3A_319 = arith.constant 0 : i32
    %dma_wait3A_320 = arith.constant 0 : i32
    %dma_wait3A_321 = tpu.memref_slice %arg7[%dma_wait3A_319, %dma_wait3A_320] : memref<79x128xi32, #tpu.memory_space<vmem>> -> memref<1x128xi32, #tpu.memory_space<vmem>>
    %dma_wait3A_322 = tpu.memref_squeeze %dma_wait3A_321 : memref<1x128xi32, #tpu.memory_space<vmem>> -> memref<128xi32, #tpu.memory_space<vmem>>
    %dma_wait3A_323 = arith.constant 0 : i32
    %dma_wait3A_324 = tpu.memref_slice %arg11[%dma_wait3A_323] : memref<327696xf32, #tpu.memory_space<vmem_shared>> -> memref<327696xf32, #tpu.memory_space<vmem_shared>>
    tpu.wait_indirect_dma semaphore(%arg12 : memref<!tpu.dma_semaphore, #tpu.memory_space<semaphore_mem>>) src(%arg8 : memref<128xf32, #tpu.memory_space<vmem>>) dst(%dma_wait3A_324 : memref<327696xf32, #tpu.memory_space<vmem_shared>>)
    %dma_wait3A_325 = arith.constant 0 : i32
    %dma_wait3A_326 = arith.constant 0 : i32
    %dma_wait3A_327 = tpu.memref_slice %arg7[%dma_wait3A_325, %dma_wait3A_326] : memref<79x128xi32, #tpu.memory_space<vmem>> -> memref<1x128xi32, #tpu.memory_space<vmem>>
    %dma_wait3A_328 = tpu.memref_squeeze %dma_wait3A_327 : memref<1x128xi32, #tpu.memory_space<vmem>> -> memref<128xi32, #tpu.memory_space<vmem>>
    %dma_wait3A_329 = arith.constant 0 : i32
    %dma_wait3A_330 = tpu.memref_slice %arg11[%dma_wait3A_329] : memref<327696xf32, #tpu.memory_space<vmem_shared>> -> memref<327696xf32, #tpu.memory_space<vmem_shared>>
    tpu.wait_indirect_dma semaphore(%arg12 : memref<!tpu.dma_semaphore, #tpu.memory_space<semaphore_mem>>) src(%arg8 : memref<128xf32, #tpu.memory_space<vmem>>) dst(%dma_wait3A_330 : memref<327696xf32, #tpu.memory_space<vmem_shared>>)
    %dma_wait3A_331 = arith.constant 0 : i32
    %dma_wait3A_332 = arith.constant 0 : i32
    %dma_wait3A_333 = tpu.memref_slice %arg7[%dma_wait3A_331, %dma_wait3A_332] : memref<79x128xi32, #tpu.memory_space<vmem>> -> memref<1x128xi32, #tpu.memory_space<vmem>>
    %dma_wait3A_334 = tpu.memref_squeeze %dma_wait3A_333 : memref<1x128xi32, #tpu.memory_space<vmem>> -> memref<128xi32, #tpu.memory_space<vmem>>
    %dma_wait3A_335 = arith.constant 0 : i32
    %dma_wait3A_336 = tpu.memref_slice %arg11[%dma_wait3A_335] : memref<327696xf32, #tpu.memory_space<vmem_shared>> -> memref<327696xf32, #tpu.memory_space<vmem_shared>>
    tpu.wait_indirect_dma semaphore(%arg12 : memref<!tpu.dma_semaphore, #tpu.memory_space<semaphore_mem>>) src(%arg8 : memref<128xf32, #tpu.memory_space<vmem>>) dst(%dma_wait3A_336 : memref<327696xf32, #tpu.memory_space<vmem_shared>>)
    %dma_wait3A_337 = arith.constant 0 : i32
    %dma_wait3A_338 = arith.constant 0 : i32
    %dma_wait3A_339 = tpu.memref_slice %arg7[%dma_wait3A_337, %dma_wait3A_338] : memref<79x128xi32, #tpu.memory_space<vmem>> -> memref<1x128xi32, #tpu.memory_space<vmem>>
    %dma_wait3A_340 = tpu.memref_squeeze %dma_wait3A_339 : memref<1x128xi32, #tpu.memory_space<vmem>> -> memref<128xi32, #tpu.memory_space<vmem>>
    %dma_wait3A_341 = arith.constant 0 : i32
    %dma_wait3A_342 = tpu.memref_slice %arg11[%dma_wait3A_341] : memref<327696xf32, #tpu.memory_space<vmem_shared>> -> memref<327696xf32, #tpu.memory_space<vmem_shared>>
    tpu.wait_indirect_dma semaphore(%arg12 : memref<!tpu.dma_semaphore, #tpu.memory_space<semaphore_mem>>) src(%arg8 : memref<128xf32, #tpu.memory_space<vmem>>) dst(%dma_wait3A_342 : memref<327696xf32, #tpu.memory_space<vmem_shared>>)
    %dma_wait3A_343 = arith.constant 0 : i32
    %dma_wait3A_344 = arith.constant 0 : i32
    %dma_wait3A_345 = tpu.memref_slice %arg7[%dma_wait3A_343, %dma_wait3A_344] : memref<79x128xi32, #tpu.memory_space<vmem>> -> memref<1x128xi32, #tpu.memory_space<vmem>>
    %dma_wait3A_346 = tpu.memref_squeeze %dma_wait3A_345 : memref<1x128xi32, #tpu.memory_space<vmem>> -> memref<128xi32, #tpu.memory_space<vmem>>
    %dma_wait3A_347 = arith.constant 0 : i32
    %dma_wait3A_348 = tpu.memref_slice %arg11[%dma_wait3A_347] : memref<327696xf32, #tpu.memory_space<vmem_shared>> -> memref<327696xf32, #tpu.memory_space<vmem_shared>>
    tpu.wait_indirect_dma semaphore(%arg12 : memref<!tpu.dma_semaphore, #tpu.memory_space<semaphore_mem>>) src(%arg8 : memref<128xf32, #tpu.memory_space<vmem>>) dst(%dma_wait3A_348 : memref<327696xf32, #tpu.memory_space<vmem_shared>>)
    %barrier3A_349 = arith.constant 0 : index
    tpu.barrier barrier_id(%barrier3A_349)
    %mul3A_350 = arith.constant 20480 : i32
    %mul3A_351 = arith.muli %arg1, %mul3A_350 : i32
    %add3A_352 = arith.constant 0 : i32
    %add3A_353 = arith.addi %mul3A_351, %add3A_352 : i32
    %dma_start3A_354 = tpu.memref_slice %arg11[%add3A_353] : memref<327696xf32, #tpu.memory_space<vmem_shared>> -> memref<10240xf32, #tpu.memory_space<vmem_shared>>
    %dma_start3A_355 = tpu.memref_slice %arg11[%add3A_353] : memref<327696xf32, #tpu.memory_space<vmem_shared>> -> memref<10240xf32, #tpu.memory_space<vmem_shared>>
    tpu.enqueue_dma source(%dma_start3A_355 : memref<10240xf32, #tpu.memory_space<vmem_shared>>) target(%arg9 : memref<10240xf32, #tpu.memory_space<vmem>>) target_semaphore(%arg14 : memref<!tpu.dma_semaphore, #tpu.memory_space<semaphore_mem>>)
    %mul3A_356 = arith.constant 20480 : i32
    %mul3A_357 = arith.muli %arg1, %mul3A_356 : i32
    %add3A_358 = arith.constant 10240 : i32
    %add3A_359 = arith.addi %mul3A_357, %add3A_358 : i32
    %dma_start3A_360 = tpu.memref_slice %arg11[%add3A_359] : memref<327696xf32, #tpu.memory_space<vmem_shared>> -> memref<10240xf32, #tpu.memory_space<vmem_shared>>
    %dma_start3A_361 = tpu.memref_slice %arg11[%add3A_359] : memref<327696xf32, #tpu.memory_space<vmem_shared>> -> memref<10240xf32, #tpu.memory_space<vmem_shared>>
    tpu.enqueue_dma source(%dma_start3A_361 : memref<10240xf32, #tpu.memory_space<vmem_shared>>) target(%arg10 : memref<10240xf32, #tpu.memory_space<vmem>>) target_semaphore(%arg15 : memref<!tpu.dma_semaphore, #tpu.memory_space<semaphore_mem>>)
    %mul3A_362 = arith.constant 20480 : i32
    %mul3A_363 = arith.muli %arg1, %mul3A_362 : i32
    %add3A_364 = arith.constant 0 : i32
    %add3A_365 = arith.addi %mul3A_363, %add3A_364 : i32
    %dma_wait3A_366 = tpu.memref_slice %arg11[%add3A_365] : memref<327696xf32, #tpu.memory_space<vmem_shared>> -> memref<10240xf32, #tpu.memory_space<vmem_shared>>
    %dma_wait3A_367 = tpu.memref_slice %arg11[%add3A_365] : memref<327696xf32, #tpu.memory_space<vmem_shared>> -> memref<10240xf32, #tpu.memory_space<vmem_shared>>
    tpu.wait_dma2 semaphore(%arg14 : memref<!tpu.dma_semaphore, #tpu.memory_space<semaphore_mem>>) src(%dma_wait3A_367 : memref<10240xf32, #tpu.memory_space<vmem_shared>>) dst(%arg9 : memref<10240xf32, #tpu.memory_space<vmem>>)
    %mul3A_368 = arith.constant 327680 : i32
    %mul3A_369 = arith.muli %arg0, %mul3A_368 : i32
    %mul3A_370 = arith.constant 20480 : i32
    %mul3A_371 = arith.muli %arg1, %mul3A_370 : i32
    %add3A_372 = arith.addi %mul3A_369, %mul3A_371 : i32
    %add3A_373 = arith.constant 0 : i32
    %add3A_374 = arith.addi %add3A_372, %add3A_373 : i32
    %dma_start3A_375 = tpu.memref_slice %arg4[%add3A_374] : memref<655360xf32, #tpu.memory_space<hbm>> -> memref<10240xf32, #tpu.memory_space<hbm>>
    %dma_start3A_376 = tpu.memref_slice %arg4[%add3A_374] : memref<655360xf32, #tpu.memory_space<hbm>> -> memref<10240xf32, #tpu.memory_space<hbm>>
    tpu.enqueue_dma source(%arg9 : memref<10240xf32, #tpu.memory_space<vmem>>) target(%dma_start3A_376 : memref<10240xf32, #tpu.memory_space<hbm>>) target_semaphore(%arg14 : memref<!tpu.dma_semaphore, #tpu.memory_space<semaphore_mem>>)
    %mul3A_377 = arith.constant 20480 : i32
    %mul3A_378 = arith.muli %arg1, %mul3A_377 : i32
    %add3A_379 = arith.constant 10240 : i32
    %add3A_380 = arith.addi %mul3A_378, %add3A_379 : i32
    %dma_wait3A_381 = tpu.memref_slice %arg11[%add3A_380] : memref<327696xf32, #tpu.memory_space<vmem_shared>> -> memref<10240xf32, #tpu.memory_space<vmem_shared>>
    %dma_wait3A_382 = tpu.memref_slice %arg11[%add3A_380] : memref<327696xf32, #tpu.memory_space<vmem_shared>> -> memref<10240xf32, #tpu.memory_space<vmem_shared>>
    tpu.wait_dma2 semaphore(%arg15 : memref<!tpu.dma_semaphore, #tpu.memory_space<semaphore_mem>>) src(%dma_wait3A_382 : memref<10240xf32, #tpu.memory_space<vmem_shared>>) dst(%arg10 : memref<10240xf32, #tpu.memory_space<vmem>>)
    %mul3A_383 = arith.constant 327680 : i32
    %mul3A_384 = arith.muli %arg0, %mul3A_383 : i32
    %mul3A_385 = arith.constant 20480 : i32
    %mul3A_386 = arith.muli %arg1, %mul3A_385 : i32
    %add3A_387 = arith.addi %mul3A_384, %mul3A_386 : i32
    %add3A_388 = arith.constant 10240 : i32
    %add3A_389 = arith.addi %add3A_387, %add3A_388 : i32
    %dma_start3A_390 = tpu.memref_slice %arg4[%add3A_389] : memref<655360xf32, #tpu.memory_space<hbm>> -> memref<10240xf32, #tpu.memory_space<hbm>>
    %dma_start3A_391 = tpu.memref_slice %arg4[%add3A_389] : memref<655360xf32, #tpu.memory_space<hbm>> -> memref<10240xf32, #tpu.memory_space<hbm>>
    tpu.enqueue_dma source(%arg10 : memref<10240xf32, #tpu.memory_space<vmem>>) target(%dma_start3A_391 : memref<10240xf32, #tpu.memory_space<hbm>>) target_semaphore(%arg15 : memref<!tpu.dma_semaphore, #tpu.memory_space<semaphore_mem>>)
    %mul3A_392 = arith.constant 327680 : i32
    %mul3A_393 = arith.muli %arg0, %mul3A_392 : i32
    %mul3A_394 = arith.constant 20480 : i32
    %mul3A_395 = arith.muli %arg1, %mul3A_394 : i32
    %add3A_396 = arith.addi %mul3A_393, %mul3A_395 : i32
    %add3A_397 = arith.constant 0 : i32
    %add3A_398 = arith.addi %add3A_396, %add3A_397 : i32
    %dma_wait3A_399 = tpu.memref_slice %arg4[%add3A_398] : memref<655360xf32, #tpu.memory_space<hbm>> -> memref<10240xf32, #tpu.memory_space<hbm>>
    %dma_wait3A_400 = tpu.memref_slice %arg4[%add3A_398] : memref<655360xf32, #tpu.memory_space<hbm>> -> memref<10240xf32, #tpu.memory_space<hbm>>
    tpu.wait_dma2 semaphore(%arg14 : memref<!tpu.dma_semaphore, #tpu.memory_space<semaphore_mem>>) src(%arg9 : memref<10240xf32, #tpu.memory_space<vmem>>) dst(%dma_wait3A_400 : memref<10240xf32, #tpu.memory_space<hbm>>)
    %mul3A_401 = arith.constant 327680 : i32
    %mul3A_402 = arith.muli %arg0, %mul3A_401 : i32
    %mul3A_403 = arith.constant 20480 : i32
    %mul3A_404 = arith.muli %arg1, %mul3A_403 : i32
    %add3A_405 = arith.addi %mul3A_402, %mul3A_404 : i32
    %add3A_406 = arith.constant 10240 : i32
    %add3A_407 = arith.addi %add3A_405, %add3A_406 : i32
    %dma_wait3A_408 = tpu.memref_slice %arg4[%add3A_407] : memref<655360xf32, #tpu.memory_space<hbm>> -> memref<10240xf32, #tpu.memory_space<hbm>>
    %dma_wait3A_409 = tpu.memref_slice %arg4[%add3A_407] : memref<655360xf32, #tpu.memory_space<hbm>> -> memref<10240xf32, #tpu.memory_space<hbm>>
    tpu.wait_dma2 semaphore(%arg15 : memref<!tpu.dma_semaphore, #tpu.memory_space<semaphore_mem>>) src(%arg10 : memref<10240xf32, #tpu.memory_space<vmem>>) dst(%dma_wait3A_409 : memref<10240xf32, #tpu.memory_space<hbm>>)
    return
  }
}

module attributes {stable_mosaic.version = 14 : i64} {
  func.func @_tc_attn_body(%arg0: i32, %arg1: i32, %arg2: memref<2560x128xf32, #tpu.memory_space<vmem>>, %arg3: memref<2x2560x128xf32, #tpu.memory_space<vmem>>, %arg4: memref<32x16xf32, #tpu.memory_space<vmem>>, %arg5: memref<32x1xf32, #tpu.memory_space<vmem>>, %arg6: memref<16x272x1xf32, #tpu.memory_space<vmem>>, %arg7: memref<32x16xf32, #tpu.memory_space<vmem>>, %arg8: memref<2560x128xf32, #tpu.memory_space<vmem>>) attributes {dimension_semantics = [#tpu.dimension_semantics<arbitrary>, #tpu.dimension_semantics<arbitrary>], iteration_bounds = array<i64: 1, 4>, scalar_prefetch = 0 : i64, scratch_operands = 0 : i64, tpu.core_type = #tpu.core_type<tc>, window_params = [{transform_indices = @transform_0, window_bounds = array<i64: 2560, 128>}, {transform_indices = @transform_1, window_bounds = array<i64: 2, 2560, 128>}, {pipeline_mode = #tpu.pipeline_mode<synchronous>, transform_indices = @transform_2, window_bounds = array<i64: 32, 16>}, {pipeline_mode = #tpu.pipeline_mode<synchronous>, transform_indices = @transform_3, window_bounds = array<i64: 32, 1>}, {pipeline_mode = #tpu.pipeline_mode<synchronous>, transform_indices = @transform_4, window_bounds = array<i64: 16, 272, 1>}, {pipeline_mode = #tpu.pipeline_mode<synchronous>, transform_indices = @transform_5, window_bounds = array<i64: 32, 16>}, {transform_indices = @transform_6, window_bounds = array<i64: 2560, 128>}]} {
    %get3A = arith.constant 0 : index
    %get3A_0 = arith.constant 0 : index
    %get3A_1 = vector.load %arg2[%get3A, %get3A_0] : memref<2560x128xf32, #tpu.memory_space<vmem>>, vector<2560x128xf32>
    %get3A_2 = arith.constant 0 : index
    %get3A_3 = arith.constant 0 : index
    %get3A_4 = arith.constant 0 : index
    %get3A_5 = vector.load %arg6[%get3A_2, %get3A_3, %get3A_4] : memref<16x272x1xf32, #tpu.memory_space<vmem>>, vector<16x272x1xf32>
    %squeeze3A = vector.shape_cast %get3A_5 : vector<16x272x1xf32> to vector<16x272xf32>
    %get3A_6 = arith.constant 0 : index
    %get3A_7 = arith.constant 0 : index
    %get3A_8 = vector.load %arg7[%get3A_6, %get3A_7] : memref<32x16xf32, #tpu.memory_space<vmem>>, vector<32x16xf32>
    %dot_general3A = arith.constant dense<0.000000e+00> : vector<32x272xf32>
    %dot_general3A_9 = tpu.matmul %get3A_8, %squeeze3A, %dot_general3A {dimension_numbers = #tpu.dot_dimension_numbers<[1], [0], [0], [1], [0, 0, 1, 1], [], []>, transpose_lhs_hint = false} : vector<32x16xf32>, vector<16x272xf32>, vector<32x272xf32> -> vector<32x272xf32>
    %slice3A = vector.extract_strided_slice %dot_general3A_9 {offsets = [0, 0], sizes = [32, 128], strides = [1, 1]} : vector<32x272xf32> to vector<32x128xf32>
    %slice3A_10 = vector.extract_strided_slice %dot_general3A_9 {offsets = [0, 128], sizes = [32, 128], strides = [1, 1]} : vector<32x272xf32> to vector<32x128xf32>
    %slice3A_11 = vector.extract_strided_slice %dot_general3A_9 {offsets = [0, 256], sizes = [32, 16], strides = [1, 1]} : vector<32x272xf32> to vector<32x16xf32>
    %dot_general3A_12 = arith.constant dense<0.000000e+00> : vector<2560x32xf32>
    %dot_general3A_13 = tpu.matmul %get3A_1, %slice3A, %dot_general3A_12 {dimension_numbers = #tpu.dot_dimension_numbers<[1], [1], [0], [0], [0, 0, 1, 0], [], []>, transpose_lhs_hint = false} : vector<2560x128xf32>, vector<32x128xf32>, vector<2560x32xf32> -> vector<2560x32xf32>
    %dot_general3A_14 = arith.constant dense<0.000000e+00> : vector<2560x32xf32>
    %dot_general3A_15 = tpu.matmul %get3A_1, %slice3A_10, %dot_general3A_14 {dimension_numbers = #tpu.dot_dimension_numbers<[1], [1], [0], [0], [0, 0, 1, 0], [], []>, transpose_lhs_hint = false} : vector<2560x128xf32>, vector<32x128xf32>, vector<2560x32xf32> -> vector<2560x32xf32>
    %get3A_16 = arith.constant 0 : index
    %get3A_17 = arith.constant 0 : index
    %get3A_18 = vector.load %arg4[%get3A_16, %get3A_17] : memref<32x16xf32, #tpu.memory_space<vmem>>, vector<32x16xf32>
    %mul3A = arith.mulf %get3A_18, %slice3A_11 : vector<32x16xf32>
    %reduce_sum3A = arith.constant dense<0.000000e+00> : vector<32xf32>
    %reduce_sum3A_19 = vector.multi_reduction <add>, %mul3A, %reduce_sum3A [1] : vector<32x16xf32> to vector<32xf32>
    %get3A_20 = arith.constant 0 : index
    %get3A_21 = arith.constant 0 : index
    %get3A_22 = vector.load %arg5[%get3A_20, %get3A_21] : memref<32x1xf32, #tpu.memory_space<vmem>>, vector<32x1xf32>
    %squeeze3A_23 = vector.shape_cast %get3A_22 : vector<32x1xf32> to vector<32xf32>
    %add3A = arith.addf %reduce_sum3A_19, %squeeze3A_23 : vector<32xf32>
    %iota3A = tpu.iota {dimensions = array<i32: 0>} : vector<128x32xi32>
    %iota3A_24 = tpu.iota {dimensions = array<i32: 1>} : vector<128x32xi32>
    %mul3A_25 = arith.constant 32 : i32
    %mul3A_26 = arith.muli %mul3A_25, %arg1 : i32
    %add3A_27 = vector.broadcast %mul3A_26 : i32 to vector<128x32xi32>
    %add3A_28 = arith.addi %iota3A_24, %add3A_27 : vector<128x32xi32>
    %eq3A = arith.cmpi eq, %iota3A, %add3A_28 : vector<128x32xi32>
    %convert_element_type3A = arith.extui %eq3A : vector<128x32xi1> to vector<128x32xi32>
    %convert_element_type3A_29 = arith.sitofp %convert_element_type3A : vector<128x32xi32> to vector<128x32xf32>
    %get3A_30 = arith.constant 0 : index
    %get3A_31 = arith.constant 0 : index
    %get3A_32 = arith.constant 0 : index
    %get3A_33 = vector.load %arg3[%get3A_30, %get3A_31, %get3A_32] : memref<2x2560x128xf32, #tpu.memory_space<vmem>>, vector<2x2560x128xf32>
    %slice3A_34 = vector.extract_strided_slice %get3A_33 {offsets = [0, 0, 0], sizes = [1, 2560, 128], strides = [1, 1, 1]} : vector<2x2560x128xf32> to vector<1x2560x128xf32>
    %squeeze3A_35 = vector.shape_cast %slice3A_34 : vector<1x2560x128xf32> to vector<2560x128xf32>
    %slice3A_36 = vector.extract_strided_slice %get3A_33 {offsets = [1, 0, 0], sizes = [1, 2560, 128], strides = [1, 1, 1]} : vector<2x2560x128xf32> to vector<1x2560x128xf32>
    %squeeze3A_37 = vector.shape_cast %slice3A_36 : vector<1x2560x128xf32> to vector<2560x128xf32>
    %add3A_38 = arith.addf %squeeze3A_35, %squeeze3A_37 : vector<2560x128xf32>
    %dot_general3A_39 = arith.constant dense<0.000000e+00> : vector<2560x32xf32>
    %dot_general3A_40 = tpu.matmul %add3A_38, %convert_element_type3A_29, %dot_general3A_39 {dimension_numbers = #tpu.dot_dimension_numbers<[1], [0], [0], [1], [0, 0, 1, 1], [], []>, transpose_lhs_hint = false} : vector<2560x128xf32>, vector<128x32xf32>, vector<2560x32xf32> -> vector<2560x32xf32>
    %gt3A = arith.constant 0.000000e+00 : f32
    %gt3A_41 = vector.broadcast %gt3A : f32 to vector<2560x32xf32>
    %gt3A_42 = arith.cmpf ogt, %dot_general3A_40, %gt3A_41 : vector<2560x32xf32>
    %jit3A = arith.constant 0.000000e+00 : f32
    %broadcast_in_dim3A = vector.broadcast %jit3A : f32 to vector<2560x32xf32>
    %select_n3A = arith.select %gt3A_42, %dot_general3A_15, %broadcast_in_dim3A : vector<2560x32xi1>, vector<2560x32xf32>
    %add3A_43 = arith.addf %dot_general3A_13, %select_n3A : vector<2560x32xf32>
    %broadcast_in_dim3A_44 = vector.shape_cast %add3A : vector<32xf32> to vector<1x32xf32>
    %add3A_45 = vector.broadcast %broadcast_in_dim3A_44 : vector<1x32xf32> to vector<2560x32xf32>
    %add3A_46 = arith.addf %add3A_43, %add3A_45 : vector<2560x32xf32>
    %jit3A_47 = arith.constant -1.000000e+10 : f32
    %broadcast_in_dim3A_48 = vector.broadcast %jit3A_47 : f32 to vector<2560x32xf32>
    %select_n3A_49 = arith.select %gt3A_42, %add3A_46, %broadcast_in_dim3A_48 : vector<2560x32xi1>, vector<2560x32xf32>
    %reduce_max3A = arith.constant dense<0xFF800000> : vector<2560xf32>
    %reduce_max3A_50 = vector.multi_reduction <maximumf>, %select_n3A_49, %reduce_max3A [1] : vector<2560x32xf32> to vector<2560xf32>
    %broadcast_in_dim3A_51 = vector.shape_cast %reduce_max3A_50 : vector<2560xf32> to vector<2560x1xf32>
    %sub3A = vector.broadcast %broadcast_in_dim3A_51 : vector<2560x1xf32> to vector<2560x32xf32>
    %sub3A_52 = arith.subf %select_n3A_49, %sub3A : vector<2560x32xf32>
    %exp3A = math.exp %sub3A_52 : vector<2560x32xf32>
    %reduce_sum3A_53 = arith.constant dense<0.000000e+00> : vector<2560xf32>
    %reduce_sum3A_54 = vector.multi_reduction <add>, %exp3A, %reduce_sum3A_53 [1] : vector<2560x32xf32> to vector<2560xf32>
    %broadcast_in_dim3A_55 = vector.shape_cast %reduce_sum3A_54 : vector<2560xf32> to vector<2560x1xf32>
    %jit3A_56 = arith.constant 0.000000e+00 : f32
    %broadcast_in_dim3A_57 = vector.broadcast %jit3A_56 : f32 to vector<2560x32xf32>
    %select_n3A_58 = arith.select %gt3A_42, %exp3A, %broadcast_in_dim3A_57 : vector<2560x32xi1>, vector<2560x32xf32>
    %reduce_sum3A_59 = arith.constant dense<0.000000e+00> : vector<2560xf32>
    %reduce_sum3A_60 = vector.multi_reduction <add>, %select_n3A_58, %reduce_sum3A_59 [1] : vector<2560x32xf32> to vector<2560xf32>
    %broadcast_in_dim3A_61 = vector.shape_cast %reduce_sum3A_60 : vector<2560xf32> to vector<2560x1xf32>
    %div3A = arith.divf %broadcast_in_dim3A_61, %broadcast_in_dim3A_55 : vector<2560x1xf32>
    %add3A_62 = arith.constant 1.000000e+00 : f32
    %add3A_63 = vector.broadcast %add3A_62 : f32 to vector<2560x1xf32>
    %add3A_64 = arith.addf %add3A_63, %div3A : vector<2560x1xf32>
    %mul3A_65 = vector.broadcast %add3A_64 : vector<2560x1xf32> to vector<2560x128xf32>
    %mul3A_66 = arith.mulf %get3A_1, %mul3A_65 : vector<2560x128xf32>
    %swap3A = arith.constant 0 : index
    %swap3A_67 = arith.constant 0 : index
    %swap3A_68 = vector.load %arg8[%swap3A, %swap3A_67] : memref<2560x128xf32, #tpu.memory_space<vmem>>, vector<2560x128xf32>
    tpu.vector_store %arg8[%swap3A, %swap3A_67], %mul3A_66 {strides = array<i32>} : memref<2560x128xf32, #tpu.memory_space<vmem>>, vector<2560x128xf32>,
    return
  }
  func.func @transform_0(%arg0: i32, %arg1: i32) -> (i32, i32) {
    %mul3A = arith.constant 1 : i32
    %mul3A_0 = arith.muli %arg1, %mul3A : i32
    %add3A = arith.addi %mul3A_0, %arg0 : i32
    %c0_i32 = arith.constant 0 : i32
    %c0_i32_1 = arith.constant 0 : i32
    return %add3A, %c0_i32 : i32, i32
  }
  func.func @transform_1(%arg0: i32, %arg1: i32) -> (i32, i32, i32) {
    %c0_i32 = arith.constant 0 : i32
    %c0_i32_0 = arith.constant 0 : i32
    %c0_i32_1 = arith.constant 0 : i32
    return %c0_i32, %arg0, %c0_i32_0 : i32, i32, i32
  }
  func.func @transform_2(%arg0: i32, %arg1: i32) -> (i32, i32) {
    %c0_i32 = arith.constant 0 : i32
    %c0_i32_0 = arith.constant 0 : i32
    %c0_i32_1 = arith.constant 0 : i32
    return %c0_i32, %c0_i32_0 : i32, i32
  }
  func.func @transform_3(%arg0: i32, %arg1: i32) -> (i32, i32) {
    %c0_i32 = arith.constant 0 : i32
    %c0_i32_0 = arith.constant 0 : i32
    %c0_i32_1 = arith.constant 0 : i32
    return %c0_i32, %c0_i32_0 : i32, i32
  }
  func.func @transform_4(%arg0: i32, %arg1: i32) -> (i32, i32, i32) {
    %c0_i32 = arith.constant 0 : i32
    %c0_i32_0 = arith.constant 0 : i32
    %c0_i32_1 = arith.constant 0 : i32
    %c0_i32_2 = arith.constant 0 : i32
    return %c0_i32, %c0_i32_0, %c0_i32_1 : i32, i32, i32
  }
  func.func @transform_5(%arg0: i32, %arg1: i32) -> (i32, i32) {
    %c0_i32 = arith.constant 0 : i32
    %c0_i32_0 = arith.constant 0 : i32
    %c0_i32_1 = arith.constant 0 : i32
    return %c0_i32, %c0_i32_0 : i32, i32
  }
  func.func @transform_6(%arg0: i32, %arg1: i32) -> (i32, i32) {
    %mul3A = arith.constant 1 : i32
    %mul3A_0 = arith.muli %arg1, %mul3A : i32
    %add3A = arith.addi %mul3A_0, %arg0 : i32
    %c0_i32 = arith.constant 0 : i32
    %c0_i32_1 = arith.constant 0 : i32
    return %add3A, %c0_i32 : i32, i32
  }
}

</mosaic_0001>

<sc_bundles>
// kernel: kernel.4.cloned.1.call-start
scs
__scs_entry_jumppad:
0x0: {  	(pc) =	sbr.rel $0x88, $3  }
0x1: {  	(tag) =	ssettag $0x0;
	lr =	simm.s32 $0x1  }
0x2: {  	[smem:$0x3F9A] =	sst lr;
	_ =	strace $0xD0000000  }
0x3: {  	_ = 	snop  }
0x4: {  	_ = 	snop  }
0x5: {  	_ = 	snop  }
0x6: {  	_ = 	snop  }
0x7: {  	_ = 	snop  }
__scs_overlays_trampoline_lowered:
0x8: {  	[smem:$0x3FA9] =	sst s0  }
0x9: {  	[smem:$0x3FAA] =	sst s1  }
0xa: {  	[smem:$0x3FAB] =	sst s2  }
0xb: {  	[smem:$0x3FAC] =	sst s3  }
0xc: {  	[smem:$0x3FAD] =	sst s4  }
0xd: {  	[smem:$0x3FAE] =	sst s5  }
0xe: {  	[smem:$0x3FAF] =	sst s6  }
0xf: {  	[smem:$0x3FB0] =	sst s7  }
0x10: {  	[smem:$0x3FB1] =	sst s8  }
0x11: {  	[smem:$0x3FB2] =	sst s9;
	s0 =	simm.s32 @!p0 $0x0  }
0x12: {  	s1 =	sld [smem:$0x3F98];
	s0 =	simm.s32 @p0 $0x1  }
0x13: {  	[smem:$0x3FB3] =	sst s0;
	s0 =	simm.s32 @!p1 $0x0  }
0x14: {  	s2 =	sld [smem:$0x3F97];
	s0 =	simm.s32 @p1 $0x1  }
0x15: {  	[smem:$0x3FB4] =	sst s0;
	s0 =	simm.s32 @!p2 $0x0  }
0x16: {  	s3 =	sld [smem:$0x3FDB];
	s0 =	simm.s32 @p2 $0x1  }
0x17: {  	s4 =	simm.s32 $0x1BF5;
	[smem:$0x3FB6] =	sst s0  }
0x18: {  	s0 =	sld [smem:$0x3F99];
	_ =	swait.ge [sflag:s4], $0x0  }
0x19: {  	s7 =	sld [smem:$0x3F9A]  }
0x1a: {  	s8 =	sadd.s32 $0xFFFFE003, lr  }
0x1b: {  	s9 =	sadd.s32 $0xFFFFFEF7, lr;
	s5 =	simm.s32 $0xFFFFFFFF;
	p2 =	slt.u32 s8, $0xFFFFF086  }
0x1c: {  	p1 =	slt.u32 s9, $0xF7A;
	s5 =	simm.s32 @!p2 $0x0  }
0x1d: {  	s5 =	simm.s32 @p1 $0x1;
	p0 =	seq.s32 s7, s2  }
0x1e: {  	s7 =	smul.u32 @!p0 $0xF7A, s2;
	p2 =	seq.s32 @!p0 s5, $0x0  }
0x1f: {  	s9 =	smul.u32 $0xF7A, s1;
	s8 =	simm.s32 @!p0 $0x1BF5;
	p2 =	por !p2, p0  }
0x20: {  	[sflag:s8] =	ssyncset.s32 @!p0 $0xFFFFF086;
	s6 =	sadd.s32 @!p0 s3, s7;
	s7 =	simm.s32 @!p0 $0x108  }
0x21: {  	s3 =	sadd.s32 s3, s9;
	s6 =	sadd.s32 @!p0 $0x88, s6;
	s7 =	simm.s32 @p2 $0x1082  }
0x22: {  	[simem:s7], [sflag:s8] =	dma.local @!p0 [hbm:s6], $0xF7A  }
0x23: {  	s9 =	sor.u32 $0xD0000000, s2;
	s6 =	simm.s32 $0x108;
	_ =	swait.ge @!p0 [sflag:s8], $0x0  }
0x24: {  	s3 =	sadd.s32 $0x88, s3;
	s6 =	simm.s32 @!p1 $0x1082;
	[sflag:s4] =	ssyncset.s32 $0xFFFFF086  }
0x25: {  	[simem:s6], [sflag:s4] =	dma.local [hbm:s3], $0xF7A  }
0x26: {  	[smem:$0x3F9A] =	sst s1;
	(tag) =	ssettag s2;
	_ =	strace s9  }
0x27: {  	s1 =	sld [smem:$0x3FAA]  }
0x28: {  	s2 =	sld [smem:$0x3FAB]  }
0x29: {  	s4 =	sld [smem:$0x3FAD]  }
0x2a: {  	p0 =	seq.s32 s5, $0x0;
	s5 =	sld [smem:$0x3FAE]  }
0x2b: {  	s6 =	sld [smem:$0x3FAF]  }
0x2c: {  	s7 =	sld [smem:$0x3FB0]  }
0x2d: {  	s3 =	simm.s32 $0x108;
	s8 =	sld [smem:$0x3FB1]  }
0x2e: {  	s3 =	simm.s32 @!p0 $0x1082;
	s9 =	sld [smem:$0x3FB2]  }
0x2f: {  	lr =	sadd.s32 s0, s3;
	s0 =	sld [smem:$0x3FA9]  }
0x30: {  	s3 =	sld [smem:$0x3FAC]  }
0x31: {  	[smem:$0x3FB5] =	sst s10  }
0x32: {  	s10 =	sld [smem:$0x3FB3];
	_ =	sdelay $0x3  }
0x33: {  	p0 =	seq.s32 s10, $0x1;
	s10 =	sld [smem:$0x3FB5];
	_ =	sdelay $0x3  }
0x34: {  	[smem:$0x3FB5] =	sst s10  }
0x35: {  	s10 =	sld [smem:$0x3FB4];
	_ =	sdelay $0x3  }
0x36: {  	p1 =	seq.s32 s10, $0x1;
	s10 =	sld [smem:$0x3FB5];
	_ =	sdelay $0x3  }
0x37: {  	[smem:$0x3FB5] =	sst s10  }
0x38: {  	s10 =	sld [smem:$0x3FB6]  }
0x39: {  	_ = 	snop;
	(pc) =	sbr.ind lr, $3  }
0x3a: {  	_ = 	snop  }
0x3b: {  	_ = 	snop  }
0x3c: {  	p2 =	seq.s32 s10, $0x1;
	s10 =	sld [smem:$0x3FB5]  }
0x3d: {  	_ =	shalt  }
0x3e: {  	_ =	shalt  }
0x3f: {  	_ =	shalt  }
0x40: {  	_ =	shalt  }
0x41: {  	_ =	shalt  }
0x42: {  	_ =	shalt  }
0x43: {  	_ =	shalt  }
0x44: {  	_ =	shalt  }
0x45: {  	_ =	shalt  }
0x46: {  	_ =	shalt  }
0x47: {  	_ =	shalt  }
0x48: {  	_ =	shalt  }
0x49: {  	_ =	shalt  }
0x4a: {  	_ =	shalt  }
0x4b: {  	_ =	shalt  }
0x4c: {  	_ =	shalt  }
0x4d: {  	_ =	shalt  }
0x4e: {  	_ =	shalt  }
0x4f: {  	_ =	shalt  }
0x50: {  	_ =	shalt  }
0x51: {  	_ =	shalt  }
0x52: {  	_ =	shalt  }
0x53: {  	_ =	shalt  }
0x54: {  	_ =	shalt  }
0x55: {  	_ =	shalt  }
0x56: {  	_ =	shalt  }
0x57: {  	_ =	shalt  }
0x58: {  	_ =	shalt  }
0x59: {  	_ =	shalt  }
0x5a: {  	_ =	shalt  }
0x5b: {  	_ =	shalt  }
0x5c: {  	_ =	shalt  }
0x5d: {  	_ =	shalt  }
0x5e: {  	_ =	shalt  }
0x5f: {  	_ =	shalt  }
0x60: {  	_ =	shalt  }
0x61: {  	_ =	shalt  }
0x62: {  	_ =	shalt  }
0x63: {  	_ =	shalt  }
0x64: {  	_ =	shalt  }
0x65: {  	_ =	shalt  }
0x66: {  	_ =	shalt  }
0x67: {  	_ =	shalt  }
0x68: {  	_ =	shalt  }
0x69: {  	_ =	shalt  }
0x6a: {  	_ =	shalt  }
0x6b: {  	_ =	shalt  }
0x6c: {  	_ =	shalt  }
0x6d: {  	_ =	shalt  }
0x6e: {  	_ =	shalt  }
0x6f: {  	_ =	shalt  }
0x70: {  	_ =	shalt  }
0x71: {  	_ =	shalt  }
0x72: {  	_ =	shalt  }
0x73: {  	_ =	shalt  }
0x74: {  	_ =	shalt  }
0x75: {  	_ =	shalt  }
0x76: {  	_ =	shalt  }
0x77: {  	_ =	shalt  }
0x78: {  	_ =	shalt  }
0x79: {  	_ =	shalt  }
0x7a: {  	_ =	shalt  }
0x7b: {  	_ =	shalt  }
0x7c: {  	_ =	shalt  }
0x7d: {  	_ =	shalt  }
0x7e: {  	_ =	shalt  }
0x7f: {  	_ =	shalt  }
0x80: {  	_ =	shalt  }
0x81: {  	_ =	shalt  }
0x82: {  	_ =	shalt  }
0x83: {  	_ =	shalt  }
0x84: {  	_ =	shalt  }
0x85: {  	_ =	shalt  }
0x86: {  	_ =	shalt  }
0x87: {  	_ =	shalt  }
.Lfunc_end0:
.L_simem_size_0:
called_computation_lowered:
.L_overlay_start_0:
0x88: {  	s2 =	sld [smem:$0x3FD9]  }
0x89: {  	s3 =	sld [smem:$0x3FFE];
	_ =	sdelay $0x1  }
0x8a: {  	s1 =	srdreg.scid  }
0x8b: {  	s0 =	sand.u32 $0x1, s1  }
0x8c: {  	s18 =	sshll.u32 s0, $0xA;
	s2 =	sadd.s32 s3, s2  }
0x8d: {  	s2 =	sadd.s32 s2, s18  }
0x8e: {  	[smem:$0x3FC1] =	sst s2  }
0x8f: {  	_ = 	snop  }
0x90: {  	s2 =	sld [smem:$0x3FC4]  }
0x91: {  	s19 =	sld [smem:$0x3FC3]  }
0x92: {  	s4 =	sld [smem:$0x3FD0];
	(tm) =	ssettm $0x1  }
0x93: {  	s5 =	sld [smem:$0x3FFB];
	_ =	sdelay $0x3  }
0x94: {  	_ =	strace s5  }
0x95: {  	s5 =	sld [smem:$0x3FFC];
	_ =	sdelay $0x3  }
0x96: {  	_ =	strace s5  }
0x97: {  	s5 =	sld [smem:$0x3FFD];
	_ =	sdelay $0x3  }
0x98: {  	_ =	strace s5  }
0x99: {  	_ =	strace $0x8FFFFFFF  }
0x9a: {  	s20 =	sld [smem:$0x3FDB];
	_ =	sdelay $0x1  }
0x9b: {  	s6 =	simm.s32 $_scs_section_size  }
0x9c: {  	s7 =	simm.s32 $_size__tile_overlayer_lowered;
	s8 =	simm.s32 $_tile_overlayer_lowered  }
0x9d: {  	s23 =	simm.s32 $0x1BFF;
	s22 =	sshll.u32 s8, $0x1;
	s5 =	sadd.s32 s6, s20  }
0x9e: {  	s9 =	simm.s32 $0x0;
	s21 =	sshll.u32 s7, $0x1;
	s7 =	sadd.s32 s22, s5  }
0x9f: {  	[timem:s9], [sflag:s23] =	dma.local [hbm:s7], s21  }
0xa0: {  	_ =	swait.ge [sflag:s23], s21  }
0xa1: {  	s6 =	ssub.s32 $0x0, s21;
	[sflag:s23] =	ssyncset.done $0x0  }
0xa2: {  	[sflag:s23] =	ssyncadd.s32 s6;
	_ =	sdelay $0x1  }
0xa3: {  	s24 =	simm.s32 $0x1B8B  }
0xa4: {  	_ =	swait.ge [sflag:s24], $0x1  }
0xa5: {  	[sflag:s24] =	ssyncset.done $0x0  }
0xa6: {  	s25 =	simm.s32 $0x1B8E;
	[sflag:s24] =	ssyncadd.s32 $0xFFFFFFFF  }
0xa7: {  	s26 =	simm.s32 $execute0_lowered;
	[smem:$0x3FD2] =	sst s25  }
0xa8: {  	s6 =	sshll.u32 s26, $0x1;
	_ =	strace $0x80000046;
	[dreg:$0x1] =	wrdreg $0xFFFFFFFF  }
0xa9: {  	s28 =	simm.s32 $_size_execute0_lowered;
	s5 =	sadd.s32 s5, s6;
	[dreg:$0x0] =	wrdreg $0x0  }
0xaa: {  	s6 =	sshll.u32 s28, $0x1;
	[dreg:$0x2] =	wrdreg s5  }
0xab: {  	[dreg:$0x3] =	wrdreg s6  }
0xac: {  	[dreg:$0x4] =	wrdreg $0xC0  }
0xad: {  	_ =	task [dreg:s9], $0x5FFFF  }
0xae: {  	[dreg:$0x1] =	wrdreg $0xFFFFFFFF  }
0xaf: {  	[dreg:$0x0] =	wrdreg $0x60  }
0xb0: {  	[dreg:$0x2] =	wrdreg s2  }
0xb1: {  	[dreg:$0x3] =	wrdreg s19  }
0xb2: {  	[dreg:$0x4] =	wrdreg s4  }
0xb3: {  	[dreg:$0x5] =	wrdreg $0xEF000  }
0xb4: {  	[dreg:$0x6] =	wrdreg $0x9  }
0xb5: {  	_ =	task.clear_ibuf [dreg:s9], $0x7FFFF;
	_ =	strace $0x90000046  }
0xb6: {  	s29 =	simm.s32 $0x9;
	_ =	strace $0x80000048  }
0xb7: {  	_ =	swait.ge [sflag:s29], $0x1  }
0xb8: {  	[sflag:s29] =	ssyncadd.s32 $0xFFFFFFFF  }
0xb9: {  	_ =	strace $0x90000048  }
0xba: {  	_ =	sfence  }
0xbb: {  	s30 =	sld [smem:$0x0];
	_ =	sdelay $0x2  }
0xbc: {  	s31 =	sshll.u32 s1, $0xD;
	s1 =	sshrl.u32 s1, $0x2  }
0xbd: {  	s3 =	sand.u32 $0x4000, s31;
	s1 =	sadd.s32 s1, s30  }
0xbe: {  	s0 =	sor.u32 s3, s0;
	s1 =	sshll.u32 s1, $0x11  }
0xbf: {  	s0 =	sor.u32 s1, s0  }
0xc0: {  	s0 =	sadd.s32 $0x8F2B, s0  }
0xc1: {  	[sflag:s0] =	ssyncadd.remote.s32 $0x1  }
0xc2: {  	_ =	sfence.sel $0xFFFF  }
0xc3: {  	[dreg:$0x0] =	wrdreg $0xFFFFFFFF;
	(pc) =	sbr.abs _section_cstart, $3  }
0xc4: {  	[dreg:$0x1] =	wrdreg $0xFFFFFFFF  }
0xc5: {  	_ =	task.clear_ibuf [dreg:s9], $0x2FFFF;
	_ =	strace $0x9FFFFFFF  }
0xc6: {  	(tm) =	ssettm $0x7FFFFFFF  }
0xc7: {  	_ =	shalt  }
tec
execute0_lowered:
.L_overlay_start_1:
0x0: {  	(tag) =	ssettag $0x1  }
0x1: {  	s4 =	rddreg [dreg:$0x0]  }
0x2: {  	s5 =	rddreg [dreg:$0x1]  }
0x3: {  	s1 =	srdreg.scid;
	s7 =	rddreg [dreg:$0x2]  }
0x4: {  	s0 =	stileid.u32;
	s2 =	rddreg [dreg:$0x3]  }
0x5: {  	s3 =	simm.s32 $0x0;
	s12 =	simm.s32 $0x9F00;
	s13 =	simm.s32 $0x2  }
0x6: {  	s14 =	simm.s32 $0x3;
	s15 =	simm.s32 $0x80;
	s16 =	simm.s32 $0x9E80  }
0x7: {  	s17 =	simm.s32 $0x1;
	s18 =	simm.s32 $0x9D80;
	s19 =	simm.s32 $0xC700  }
0x8: {  	s20 =	simm.s32 $0x4;
	s21 =	simm.s32 $0x0;
	s6 =	sand.u32 $0x1, s1  }
0x9: {  	s28 =	sshll.u32 s0, $0x1;
	s1 =	rddreg [dreg:$0x4];
	s10 =	smul.u32 $0x5000, s0  }
0xa: {  	s8 =	sor.u32 s6, s28;
	s11 =	ssub.s32 $0x2, s6;
	s6 =	smul.u32 $0x50000, s6  }
0xb: {  	[smem:$0x7FF] =	sst s3;
	p0 =	sgt.u32 s0, $0xD;
	s9 =	smul.u32 $0x4E, s8  }
0xc: {  	_ =	strace $0x80000047;
	s8 =	smax.u32 s8, $0x1C;
	s29 =	sshrl.u32 s11, $0x1  }
0xd: {  	s11 =	ssub.s32 s11, s29;
	s6 =	sadd.s32 s10, s6;
	s8 =	sadd.s32 s9, s8  }
0xe: {  	s31 =	sshrl.u32 s6, $0x3;
	s6 =	sadd.s32 s10, s2;
	s10 =	smax.u32 s11, $0x1  }
0xf: {  	s11 =	simm.s32 $0x4F00;
	s8 =	sadd.s32 $0xFFFFFFE4, s8;
	s7 =	sadd.s32 s7, s31  }
0x10: {  	s30 =	sshll.u32 s8, $0x5;
	s8 =	sshll.u32 s8, $0x4;
	s9 =	sadd.s32 $0x500, s7  }
0x11: {  	v0 =	vimm.f32 $0.0e+00;
	v1 =	vimm.f32 $1.000000000e+00;
	s4 =	sadd.s32 s4, s30;
	s5 =	sadd.s32 s5, s8;
	s8 =	sadd.s32 $0x2800, s6  }
.LBB2_1:
0x12: {  	[tilespmem:s3], [sflag:$0x2] =	stream.linear.gather [hbm4b:s4+s3], $0x4F00, $0x38;
	[tilespmem:$0x13F08] =	vst v63  }
0x13: {  	s22 =	simm.s32 $0x40;
	s23 =	simm.s32 $0x0  }
0x14: {  	[tilespmem:s11], [sflag:$0x2] =	stream.linear.gather [hbm4b:s5+s3], $0x2780, $0x38;
	[tilespmem:$0x13F08] =	vst v63  }
.LBB2_2:
0x15: {  	p1 =	sne.s32 s22, $0x9FC0;
	[tilespmem:s23+$0x9F00] =	vst v0;
	s23 =	smov.u32 s22;
	s22 =	sadd.s32 $0x40, s22  }
.Ltmp0:
0x16: {  	(pc) =	sbr.rel @p1 .LBB2_2-.Ltmp0, $2  }
0x17: {  	_ =	sdelay $0x2  }
0x18: {  	s23 =	sshra.s32 s23, $0x2  }
0x19: {  	[tilespmem:s23+$0x9F00] =	vst v0  }
0x1a: {  	[spmem:s6] =	stream.linear.scatter [tilespmem:s12], [sflag:$0x3], $0x2800, $0x38;
	[tilespmem:$0x13F08] =	vst v63  }
0x1b: {  	_ = 	snop  }
0x1c: {  	[spmem:s8] =	stream.linear.scatter [tilespmem:s12], [sflag:$0x3], $0x2800, $0x38;
	[tilespmem:$0x13F08] =	vst v63  }
0x1d: {  	[tilespmem:$0x9E80] =	vst v1  }
0x1e: {  	[tilespmem:$0x9E90] =	vst v1  }
0x1f: {  	[tilespmem:$0x9EA0] =	vst v1  }
0x20: {  	[tilespmem:$0x9EB0] =	vst v1  }
0x21: {  	[tilespmem:$0x9EC0] =	vst v1  }
0x22: {  	[tilespmem:$0x9ED0] =	vst v1  }
0x23: {  	[tilespmem:$0x9EE0] =	vst v1  }
0x24: {  	[tilespmem:$0x9EF0] =	vst v1  }
0x25: {  	_ =	swait.ge [sflag:s13], $0x4F00  }
0x26: {  	[sflag:s13] =	ssyncset.done $0x0  }
0x27: {  	[sflag:s13] =	ssyncadd.s32 $0xFFFFB100  }
0x28: {  	_ =	swait.ge [sflag:s13], $0x2780  }
0x29: {  	[sflag:s13] =	ssyncset.done $0x0  }
0x2a: {  	[sflag:s13] =	ssyncadd.s32 $0xFFFFD880  }
0x2b: {  	_ =	swait.ge [sflag:s14], $0x2800  }
0x2c: {  	[sflag:s14] =	ssyncset.done $0x0  }
0x2d: {  	[sflag:s14] =	ssyncadd.s32 $0xFFFFD800  }
0x2e: {  	_ =	swait.ge [sflag:s14], $0x2800  }
0x2f: {  	[sflag:s14] =	ssyncset.done $0x0  }
0x30: {  	[sflag:s14] =	ssyncadd.s32 $0xFFFFD800  }
0x31: {  	s31 =	simm.s32 $0xF0;
	[bflag:$0x0] =	sbarrier.arrive $0xFFFF  }
0x32: {  	v2 =	vld [tilespmem:s31+$0xFFFFFF90];
	_ =	sdelay $0x2  }
0x33: {  	s22 =	simm.s32 $0x0  }
0x34: {  	v3 =	vld [tilespmem:s22+$0x4F00]  }
0x35: {  	v4 =	vmul.u32 $0x3334, v2;
	_ =	sdelay $0x1  }
0x36: {  	v4 =	vshrl.u32 v4, $0x19  }
0x37: {  	v2 =	vshll.u32 v2, $0x7;
	v4 =	vmul.u32 $0xFFFB0020, v4  }
0x38: {  	v2 =	vadd.s32 v3, v2  }
0x39: {  	v2 =	vadd.s32 v4, v2  }
0x3a: {  	[tilespmem:s22+$0x7680] =	vst v2  }
0x3b: {  	v2 =	vld [tilespmem:s31+$0xFFFFFFA0];
	_ =	sdelay $0x3  }
0x3c: {  	v3 =	vld [tilespmem:s22+$0x4F10]  }
0x3d: {  	v57 =	vmul.u32 $0x3334, v2;
	_ =	sdelay $0x1  }
0x3e: {  	v4 =	vshrl.u32 v57, $0x19  }
0x3f: {  	v2 =	vshll.u32 v2, $0x7;
	v4 =	vmul.u32 $0xFFFB0020, v4  }
0x40: {  	v2 =	vadd.s32 v3, v2  }
0x41: {  	v2 =	vadd.s32 v4, v2  }
0x42: {  	[tilespmem:s22+$0x7690] =	vst v2  }
0x43: {  	v2 =	vld [tilespmem:s31+$0xFFFFFFB0];
	_ =	sdelay $0x3  }
0x44: {  	v3 =	vld [tilespmem:s22+$0x4F20]  }
0x45: {  	v58 =	vmul.u32 $0x3334, v2;
	_ =	sdelay $0x1  }
0x46: {  	v4 =	vshrl.u32 v58, $0x19  }
0x47: {  	v2 =	vshll.u32 v2, $0x7;
	v4 =	vmul.u32 $0xFFFB0020, v4  }
0x48: {  	v2 =	vadd.s32 v3, v2  }
0x49: {  	v2 =	vadd.s32 v4, v2  }
0x4a: {  	[tilespmem:s22+$0x76A0] =	vst v2  }
0x4b: {  	v2 =	vld [tilespmem:s31+$0xFFFFFFC0];
	_ =	sdelay $0x3  }
0x4c: {  	v3 =	vld [tilespmem:s22+$0x4F30]  }
0x4d: {  	v59 =	vmul.u32 $0x3334, v2;
	_ =	sdelay $0x1  }
0x4e: {  	v4 =	vshrl.u32 v59, $0x19  }
0x4f: {  	v2 =	vshll.u32 v2, $0x7;
	v4 =	vmul.u32 $0xFFFB0020, v4  }
0x50: {  	v2 =	vadd.s32 v3, v2  }
0x51: {  	v2 =	vadd.s32 v4, v2  }
0x52: {  	[tilespmem:s22+$0x76B0] =	vst v2  }
0x53: {  	v2 =	vld [tilespmem:s31+$0xFFFFFFD0];
	_ =	sdelay $0x3  }
0x54: {  	v3 =	vld [tilespmem:s22+$0x4F40]  }
0x55: {  	v60 =	vmul.u32 $0x3334, v2;
	_ =	sdelay $0x1  }
0x56: {  	v4 =	vshrl.u32 v60, $0x19  }
0x57: {  	v2 =	vshll.u32 v2, $0x7;
	v4 =	vmul.u32 $0xFFFB0020, v4  }
0x58: {  	v2 =	vadd.s32 v3, v2  }
0x59: {  	v2 =	vadd.s32 v4, v2  }
0x5a: {  	[tilespmem:s22+$0x76C0] =	vst v2  }
0x5b: {  	v2 =	vld [tilespmem:s31+$0xFFFFFFE0];
	_ =	sdelay $0x3  }
0x5c: {  	v3 =	vld [tilespmem:s22+$0x4F50]  }
0x5d: {  	v61 =	vmul.u32 $0x3334, v2;
	_ =	sdelay $0x1  }
0x5e: {  	v4 =	vshrl.u32 v61, $0x19  }
0x5f: {  	v2 =	vshll.u32 v2, $0x7;
	v4 =	vmul.u32 $0xFFFB0020, v4  }
0x60: {  	v2 =	vadd.s32 v3, v2  }
0x61: {  	v2 =	vadd.s32 v4, v2  }
0x62: {  	[tilespmem:s22+$0x76D0] =	vst v2  }
0x63: {  	v2 =	vld [tilespmem:s31+$0xFFFFFFF0];
	_ =	sdelay $0x3  }
0x64: {  	v3 =	vld [tilespmem:s22+$0x4F60]  }
0x65: {  	v62 =	vmul.u32 $0x3334, v2;
	_ =	sdelay $0x1  }
0x66: {  	v4 =	vshrl.u32 v62, $0x19  }
0x67: {  	v2 =	vshll.u32 v2, $0x7;
	v4 =	vmul.u32 $0xFFFB0020, v4  }
0x68: {  	v2 =	vadd.s32 v3, v2  }
0x69: {  	v2 =	vadd.s32 v4, v2  }
0x6a: {  	[tilespmem:s22+$0x76E0] =	vst v2  }
0x6b: {  	v2 =	vld [tilespmem:s31+$0x0];
	_ =	sdelay $0x3  }
0x6c: {  	v3 =	vld [tilespmem:s22+$0x4F70]  }
0x6d: {  	v63 =	vmul.u32 $0x3334, v2;
	_ =	sdelay $0x1  }
0x6e: {  	v4 =	vshrl.u32 v63, $0x19  }
0x6f: {  	v2 =	vshll.u32 v2, $0x7;
	v4 =	vmul.u32 $0xFFFB0020, v4  }
0x70: {  	v2 =	vadd.s32 v3, v2  }
0x71: {  	v2 =	vadd.s32 v4, v2  }
0x72: {  	s23 =	simm.s32 $0x200;
	s26 =	simm.s32 $0x7680;
	s24 =	simm.s32 $0x1F0;
	[tilespmem:s22+$0x76F0] =	vst v2  }
.LBB2_4:
0x73: {  	[spmem:s2] =	stream.indirect.scatter [tilespmem:s16], [sflag:$0x1], $0x1, s26, s15, $0xb8;
	[tilespmem:$0x13F08] =	vst v63  }
0x74: {  	p1 =	sne.s32 s23, $0xE00;
	s25 =	smov.u32 s23;
	s23 =	sadd.s32 $0x200, s23;
	v2 =	vld [tilespmem:s24+$0xFFFFFF90]  }
0x75: {  	_ =	sdelay $0x1  }
0x76: {  	s25 =	sshra.s32 s25, $0x2  }
0x77: {  	v3 =	vld [tilespmem:s25+$0x4F00]  }
0x78: {  	v4 =	vmul.u32 $0x3334, v2;
	v2 =	vshll.u32 v2, $0x7;
	_ =	sdelay $0x1  }
0x79: {  	v4 =	vshrl.u32 v4, $0x19  }
0x7a: {  	v4 =	vmul.u32 $0xFFFB0020, v4  }
0x7b: {  	v2 =	vadd.s32 v3, v2  }
0x7c: {  	v2 =	vadd.s32 v4, v2  }
0x7d: {  	[tilespmem:s25+$0x7680] =	vst v2  }
0x7e: {  	v2 =	vld [tilespmem:s24+$0xFFFFFFA0];
	_ =	sdelay $0x3  }
0x7f: {  	v3 =	vld [tilespmem:s25+$0x4F10]  }
0x80: {  	v4 =	vmul.u32 $0x3334, v2;
	v2 =	vshll.u32 v2, $0x7;
	_ =	sdelay $0x1  }
0x81: {  	v4 =	vshrl.u32 v4, $0x19  }
0x82: {  	v4 =	vmul.u32 $0xFFFB0020, v4  }
0x83: {  	v2 =	vadd.s32 v3, v2  }
0x84: {  	v2 =	vadd.s32 v4, v2  }
0x85: {  	[tilespmem:s25+$0x7690] =	vst v2  }
0x86: {  	v2 =	vld [tilespmem:s24+$0xFFFFFFB0];
	_ =	sdelay $0x3  }
0x87: {  	v3 =	vld [tilespmem:s25+$0x4F20]  }
0x88: {  	v4 =	vmul.u32 $0x3334, v2;
	v2 =	vshll.u32 v2, $0x7;
	_ =	sdelay $0x1  }
0x89: {  	v4 =	vshrl.u32 v4, $0x19  }
0x8a: {  	v4 =	vmul.u32 $0xFFFB0020, v4  }
0x8b: {  	v2 =	vadd.s32 v3, v2  }
0x8c: {  	v2 =	vadd.s32 v4, v2  }
0x8d: {  	[tilespmem:s25+$0x76A0] =	vst v2  }
0x8e: {  	v2 =	vld [tilespmem:s24+$0xFFFFFFC0];
	_ =	sdelay $0x3  }
0x8f: {  	v3 =	vld [tilespmem:s25+$0x4F30]  }
0x90: {  	v4 =	vmul.u32 $0x3334, v2;
	v2 =	vshll.u32 v2, $0x7;
	_ =	sdelay $0x1  }
0x91: {  	v4 =	vshrl.u32 v4, $0x19  }
0x92: {  	v4 =	vmul.u32 $0xFFFB0020, v4  }
0x93: {  	v2 =	vadd.s32 v3, v2  }
0x94: {  	v2 =	vadd.s32 v4, v2  }
0x95: {  	[tilespmem:s25+$0x76B0] =	vst v2  }
0x96: {  	v2 =	vld [tilespmem:s24+$0xFFFFFFD0];
	_ =	sdelay $0x3  }
0x97: {  	v3 =	vld [tilespmem:s25+$0x4F40]  }
0x98: {  	v4 =	vmul.u32 $0x3334, v2;
	v2 =	vshll.u32 v2, $0x7;
	_ =	sdelay $0x1  }
0x99: {  	v4 =	vshrl.u32 v4, $0x19  }
0x9a: {  	v4 =	vmul.u32 $0xFFFB0020, v4  }
0x9b: {  	v2 =	vadd.s32 v3, v2  }
0x9c: {  	v2 =	vadd.s32 v4, v2  }
0x9d: {  	[tilespmem:s25+$0x76C0] =	vst v2  }
0x9e: {  	v2 =	vld [tilespmem:s24+$0xFFFFFFE0];
	_ =	sdelay $0x3  }
0x9f: {  	v3 =	vld [tilespmem:s25+$0x4F50]  }
0xa0: {  	v4 =	vmul.u32 $0x3334, v2;
	v2 =	vshll.u32 v2, $0x7;
	_ =	sdelay $0x1  }
0xa1: {  	v4 =	vshrl.u32 v4, $0x19  }
0xa2: {  	v4 =	vmul.u32 $0xFFFB0020, v4  }
0xa3: {  	v2 =	vadd.s32 v3, v2  }
0xa4: {  	v2 =	vadd.s32 v4, v2  }
0xa5: {  	[tilespmem:s25+$0x76D0] =	vst v2  }
0xa6: {  	v2 =	vld [tilespmem:s24+$0xFFFFFFF0];
	_ =	sdelay $0x3  }
0xa7: {  	v3 =	vld [tilespmem:s25+$0x4F60]  }
0xa8: {  	v4 =	vmul.u32 $0x3334, v2;
	v2 =	vshll.u32 v2, $0x7;
	_ =	sdelay $0x1  }
0xa9: {  	v4 =	vshrl.u32 v4, $0x19  }
0xaa: {  	v4 =	vmul.u32 $0xFFFB0020, v4  }
0xab: {  	v2 =	vadd.s32 v3, v2  }
0xac: {  	v2 =	vadd.s32 v4, v2  }
0xad: {  	[tilespmem:s25+$0x76E0] =	vst v2  }
0xae: {  	v2 =	vld [tilespmem:s24+$0x0];
	_ =	sdelay $0x3  }
0xaf: {  	v3 =	vld [tilespmem:s25+$0x4F70]  }
0xb0: {  	v4 =	vmul.u32 $0x3334, v2;
	v2 =	vshll.u32 v2, $0x7;
	_ =	sdelay $0x1  }
.Ltmp1:
0xb1: {  	v4 =	vshrl.u32 v4, $0x19;
	(pc) =	sbr.rel @p1 .LBB2_4-.Ltmp1, $4  }
0xb2: {  	v4 =	vmul.u32 $0xFFFB0020, v4  }
0xb3: {  	v2 =	vadd.s32 v3, v2  }
0xb4: {  	v2 =	vadd.s32 v4, v2  }
0xb5: {  	s26 =	sadd.s32 $0x7680, s25;
	s24 =	sadd.s32 $0x100, s24;
	[tilespmem:s25+$0x76F0] =	vst v2  }
0xb6: {  	[spmem:s2] =	stream.indirect.scatter [tilespmem:s16], [sflag:$0x1], $0x1, s26, s15, $0xb8;
	[tilespmem:$0x13F08] =	vst v63  }
0xb7: {  	s23 =	simm.s32 $0x8F0  }
0xb8: {  	v2 =	vld [tilespmem:s23+$0xFFFFFF90];
	_ =	sdelay $0x3  }
0xb9: {  	v3 =	vld [tilespmem:s22+$0x5300]  }
0xba: {  	v4 =	vmul.u32 $0x3334, v2;
	_ =	sdelay $0x1  }
0xbb: {  	v4 =	vshrl.u32 v4, $0x19  }
0xbc: {  	v2 =	vshll.u32 v2, $0x7;
	v4 =	vmul.u32 $0xFFFB0020, v4  }
0xbd: {  	v2 =	vadd.s32 v3, v2  }
0xbe: {  	v2 =	vadd.s32 v4, v2  }
0xbf: {  	[tilespmem:s22+$0x7A80] =	vst v2  }
0xc0: {  	v2 =	vld [tilespmem:s23+$0xFFFFFFA0];
	_ =	sdelay $0x3  }
0xc1: {  	v3 =	vld [tilespmem:s22+$0x5310]  }
0xc2: {  	v57 =	vmul.u32 $0x3334, v2;
	_ =	sdelay $0x1  }
0xc3: {  	v4 =	vshrl.u32 v57, $0x19  }
0xc4: {  	v2 =	vshll.u32 v2, $0x7;
	v4 =	vmul.u32 $0xFFFB0020, v4  }
0xc5: {  	v2 =	vadd.s32 v3, v2  }
0xc6: {  	v2 =	vadd.s32 v4, v2  }
0xc7: {  	[tilespmem:s22+$0x7A90] =	vst v2  }
0xc8: {  	v2 =	vld [tilespmem:s23+$0xFFFFFFB0];
	_ =	sdelay $0x3  }
0xc9: {  	v3 =	vld [tilespmem:s22+$0x5320]  }
0xca: {  	v58 =	vmul.u32 $0x3334, v2;
	_ =	sdelay $0x1  }
0xcb: {  	v4 =	vshrl.u32 v58, $0x19  }
0xcc: {  	v2 =	vshll.u32 v2, $0x7;
	v4 =	vmul.u32 $0xFFFB0020, v4  }
0xcd: {  	v2 =	vadd.s32 v3, v2  }
0xce: {  	v2 =	vadd.s32 v4, v2  }
0xcf: {  	[tilespmem:s22+$0x7AA0] =	vst v2  }
0xd0: {  	v2 =	vld [tilespmem:s23+$0xFFFFFFC0];
	_ =	sdelay $0x3  }
0xd1: {  	v3 =	vld [tilespmem:s22+$0x5330]  }
0xd2: {  	v59 =	vmul.u32 $0x3334, v2;
	_ =	sdelay $0x1  }
0xd3: {  	v4 =	vshrl.u32 v59, $0x19  }
0xd4: {  	v2 =	vshll.u32 v2, $0x7;
	v4 =	vmul.u32 $0xFFFB0020, v4  }
0xd5: {  	v2 =	vadd.s32 v3, v2  }
0xd6: {  	v2 =	vadd.s32 v4, v2  }
0xd7: {  	[tilespmem:s22+$0x7AB0] =	vst v2  }
0xd8: {  	v2 =	vld [tilespmem:s23+$0xFFFFFFD0];
	_ =	sdelay $0x3  }
0xd9: {  	v3 =	vld [tilespmem:s22+$0x5340]  }
0xda: {  	v60 =	vmul.u32 $0x3334, v2;
	_ =	sdelay $0x1  }
0xdb: {  	v4 =	vshrl.u32 v60, $0x19  }
0xdc: {  	v2 =	vshll.u32 v2, $0x7;
	v4 =	vmul.u32 $0xFFFB0020, v4  }
0xdd: {  	v2 =	vadd.s32 v3, v2  }
0xde: {  	v2 =	vadd.s32 v4, v2  }
0xdf: {  	[tilespmem:s22+$0x7AC0] =	vst v2  }
0xe0: {  	v2 =	vld [tilespmem:s23+$0xFFFFFFE0];
	_ =	sdelay $0x3  }
0xe1: {  	v3 =	vld [tilespmem:s22+$0x5350]  }
0xe2: {  	v61 =	vmul.u32 $0x3334, v2;
	_ =	sdelay $0x1  }
0xe3: {  	v4 =	vshrl.u32 v61, $0x19  }
0xe4: {  	v2 =	vshll.u32 v2, $0x7;
	v4 =	vmul.u32 $0xFFFB0020, v4  }
0xe5: {  	v2 =	vadd.s32 v3, v2  }
0xe6: {  	v2 =	vadd.s32 v4, v2  }
0xe7: {  	[tilespmem:s22+$0x7AD0] =	vst v2  }
0xe8: {  	v2 =	vld [tilespmem:s23+$0xFFFFFFF0];
	_ =	sdelay $0x3  }
0xe9: {  	v3 =	vld [tilespmem:s22+$0x5360]  }
0xea: {  	v62 =	vmul.u32 $0x3334, v2;
	_ =	sdelay $0x1  }
0xeb: {  	v4 =	vshrl.u32 v62, $0x19  }
0xec: {  	v2 =	vshll.u32 v2, $0x7;
	v4 =	vmul.u32 $0xFFFB0020, v4  }
0xed: {  	v2 =	vadd.s32 v3, v2  }
0xee: {  	v2 =	vadd.s32 v4, v2  }
0xef: {  	[tilespmem:s22+$0x7AE0] =	vst v2  }
0xf0: {  	v2 =	vld [tilespmem:s23+$0x0];
	_ =	sdelay $0x3  }
0xf1: {  	v3 =	vld [tilespmem:s22+$0x5370]  }
0xf2: {  	v63 =	vmul.u32 $0x3334, v2;
	_ =	sdelay $0x1  }
0xf3: {  	v4 =	vshrl.u32 v63, $0x19  }
0xf4: {  	v2 =	vshll.u32 v2, $0x7;
	v4 =	vmul.u32 $0xFFFB0020, v4  }
0xf5: {  	v2 =	vadd.s32 v3, v2  }
0xf6: {  	v2 =	vadd.s32 v4, v2  }
0xf7: {  	s24 =	simm.s32 $0x7A80;
	[tilespmem:s22+$0x7AF0] =	vst v2  }
0xf8: {  	[spmem:s2] =	stream.indirect.scatter [tilespmem:s16], [sflag:$0x1], $0x1, s24, s15, $0xb8;
	[tilespmem:$0x13F08] =	vst v63  }
0xf9: {  	_ =	swait.ge [sflag:s17], $0x80  }
0xfa: {  	s22 =	simm.s32 $0x200;
	[sflag:s17] =	ssyncset.done $0x0  }
.LBB2_6:
0xfb: {  	p1 =	sne.s32 s22, $0x8A00;
	[sflag:s17] =	ssyncadd.s32 $0xFFFFFF80;
	s23 =	sadd.s32 $0x100, s23  }
0xfc: {  	s24 =	smov.u32 s22;
	s22 =	sadd.s32 $0x200, s22;
	v2 =	vld [tilespmem:s23+$0xFFFFFF90];
	_ =	sdelay $0x2  }
0xfd: {  	s24 =	sshra.s32 s24, $0x2  }
0xfe: {  	v3 =	vld [tilespmem:s24+$0x5300]  }
0xff: {  	v4 =	vmul.u32 $0x3334, v2;
	v2 =	vshll.u32 v2, $0x7;
	_ =	sdelay $0x1  }
0x100: {  	v4 =	vshrl.u32 v4, $0x19  }
0x101: {  	v4 =	vmul.u32 $0xFFFB0020, v4  }
0x102: {  	v2 =	vadd.s32 v3, v2  }
0x103: {  	v2 =	vadd.s32 v4, v2  }
0x104: {  	[tilespmem:s24+$0x7A80] =	vst v2  }
0x105: {  	v2 =	vld [tilespmem:s23+$0xFFFFFFA0];
	_ =	sdelay $0x3  }
0x106: {  	v3 =	vld [tilespmem:s24+$0x5310]  }
0x107: {  	v4 =	vmul.u32 $0x3334, v2;
	v2 =	vshll.u32 v2, $0x7;
	_ =	sdelay $0x1  }
0x108: {  	v4 =	vshrl.u32 v4, $0x19  }
0x109: {  	v4 =	vmul.u32 $0xFFFB0020, v4  }
0x10a: {  	v2 =	vadd.s32 v3, v2  }
0x10b: {  	v2 =	vadd.s32 v4, v2  }
0x10c: {  	[tilespmem:s24+$0x7A90] =	vst v2  }
0x10d: {  	v2 =	vld [tilespmem:s23+$0xFFFFFFB0];
	_ =	sdelay $0x3  }
0x10e: {  	v3 =	vld [tilespmem:s24+$0x5320]  }
0x10f: {  	v4 =	vmul.u32 $0x3334, v2;
	v2 =	vshll.u32 v2, $0x7;
	_ =	sdelay $0x1  }
0x110: {  	v4 =	vshrl.u32 v4, $0x19  }
0x111: {  	v4 =	vmul.u32 $0xFFFB0020, v4  }
0x112: {  	v2 =	vadd.s32 v3, v2  }
0x113: {  	v2 =	vadd.s32 v4, v2  }
0x114: {  	[tilespmem:s24+$0x7AA0] =	vst v2  }
0x115: {  	v2 =	vld [tilespmem:s23+$0xFFFFFFC0];
	_ =	sdelay $0x3  }
0x116: {  	v3 =	vld [tilespmem:s24+$0x5330]  }
0x117: {  	v4 =	vmul.u32 $0x3334, v2;
	v2 =	vshll.u32 v2, $0x7;
	_ =	sdelay $0x1  }
0x118: {  	v4 =	vshrl.u32 v4, $0x19  }
0x119: {  	v4 =	vmul.u32 $0xFFFB0020, v4  }
0x11a: {  	v2 =	vadd.s32 v3, v2  }
0x11b: {  	v2 =	vadd.s32 v4, v2  }
0x11c: {  	[tilespmem:s24+$0x7AB0] =	vst v2  }
0x11d: {  	v2 =	vld [tilespmem:s23+$0xFFFFFFD0];
	_ =	sdelay $0x3  }
0x11e: {  	v3 =	vld [tilespmem:s24+$0x5340]  }
0x11f: {  	v4 =	vmul.u32 $0x3334, v2;
	v2 =	vshll.u32 v2, $0x7;
	_ =	sdelay $0x1  }
0x120: {  	v4 =	vshrl.u32 v4, $0x19  }
0x121: {  	v4 =	vmul.u32 $0xFFFB0020, v4  }
0x122: {  	v2 =	vadd.s32 v3, v2  }
0x123: {  	v2 =	vadd.s32 v4, v2  }
0x124: {  	[tilespmem:s24+$0x7AC0] =	vst v2  }
0x125: {  	v2 =	vld [tilespmem:s23+$0xFFFFFFE0];
	_ =	sdelay $0x3  }
0x126: {  	v3 =	vld [tilespmem:s24+$0x5350]  }
0x127: {  	v4 =	vmul.u32 $0x3334, v2;
	v2 =	vshll.u32 v2, $0x7;
	_ =	sdelay $0x1  }
0x128: {  	v4 =	vshrl.u32 v4, $0x19  }
0x129: {  	v4 =	vmul.u32 $0xFFFB0020, v4  }
0x12a: {  	v2 =	vadd.s32 v3, v2  }
0x12b: {  	v2 =	vadd.s32 v4, v2  }
0x12c: {  	[tilespmem:s24+$0x7AD0] =	vst v2  }
0x12d: {  	v2 =	vld [tilespmem:s23+$0xFFFFFFF0];
	_ =	sdelay $0x3  }
0x12e: {  	v3 =	vld [tilespmem:s24+$0x5360]  }
0x12f: {  	v4 =	vmul.u32 $0x3334, v2;
	v2 =	vshll.u32 v2, $0x7;
	_ =	sdelay $0x1  }
0x130: {  	v4 =	vshrl.u32 v4, $0x19  }
0x131: {  	v4 =	vmul.u32 $0xFFFB0020, v4  }
0x132: {  	v2 =	vadd.s32 v3, v2  }
0x133: {  	v2 =	vadd.s32 v4, v2  }
0x134: {  	[tilespmem:s24+$0x7AE0] =	vst v2  }
0x135: {  	v2 =	vld [tilespmem:s23+$0x0];
	_ =	sdelay $0x3  }
0x136: {  	v3 =	vld [tilespmem:s24+$0x5370]  }
0x137: {  	v4 =	vmul.u32 $0x3334, v2;
	v2 =	vshll.u32 v2, $0x7;
	_ =	sdelay $0x1  }
0x138: {  	v4 =	vshrl.u32 v4, $0x19  }
0x139: {  	v4 =	vmul.u32 $0xFFFB0020, v4  }
0x13a: {  	v2 =	vadd.s32 v3, v2  }
.Ltmp2:
0x13b: {  	v2 =	vadd.s32 v4, v2;
	(pc) =	sbr.rel @p1 .LBB2_6-.Ltmp2, $4  }
0x13c: {  	s25 =	sadd.s32 $0x7A80, s24;
	[tilespmem:s24+$0x7AF0] =	vst v2  }
0x13d: {  	[spmem:s2] =	stream.indirect.scatter [tilespmem:s16], [sflag:$0x1], $0x1, s25, s15, $0xb8;
	[tilespmem:$0x13F08] =	vst v63  }
0x13e: {  	_ =	swait.ge [sflag:s17], $0x80  }
0x13f: {  	[sflag:s17] =	ssyncset.done $0x0  }
0x140: {  	[sflag:s17] =	ssyncadd.s32 $0xFFFFFF80  }
0x141: {  	v2 =	vld [tilespmem:$0x4E80]  }
0x142: {  	v3 =	vld [tilespmem:$0x4E90]  }
0x143: {  	v4 =	vld [tilespmem:$0x7600]  }
0x144: {  	v5 =	vld [tilespmem:$0x7610]  }
0x145: {  	v6 =	vld [tilespmem:$0x4EA0]  }
0x146: {  	v8 =	vld [tilespmem:$0x4EB0]  }
0x147: {  	v12 =	vld [tilespmem:$0x4EC0]  }
0x148: {  	v14 =	vld [tilespmem:$0x4ED0]  }
0x149: {  	v53 =	vld [tilespmem:$0x4EE0]  }
0x14a: {  	v16 =	vld [tilespmem:$0x4EF0]  }
0x14b: {  	v10 =	vld [tilespmem:$0x7620];
	v7 =	vmul.u32 $0x3334, v2;
	v9 =	vmul.u32 $0x3334, v3;
	v2 =	vshll.u32 v2, $0x7  }
0x14c: {  	v11 =	vld [tilespmem:$0x7630];
	v3 =	vshll.u32 v3, $0x7;
	v13 =	vmul.u32 $0x3334, v6;
	v49 =	vmul.u32 $0x3334, v8  }
0x14d: {  	v6 =	vshll.u32 v6, $0x7;
	v8 =	vshll.u32 v8, $0x7;
	v15 =	vmul.u32 $0x3334, v12  }
0x14e: {  	v54 =	vmul.u32 $0x3334, v14;
	v56 =	vshll.u32 v12, $0x7;
	v58 =	vmul.u32 $0x3334, v53  }
0x14f: {  	v60 =	vmul.u32 $0x3334, v16;
	v62 =	vshll.u32 v53, $0x7;
	v63 =	vshll.u32 v16, $0x7  }
0x150: {  	v2 =	vadd.s32 v4, v2;
	v3 =	vadd.s32 v5, v3;
	v6 =	vadd.s32 v10, v6  }
0x151: {  	v8 =	vadd.s32 v11, v8;
	v7 =	vshrl.u32 v7, $0x19;
	v9 =	vshrl.u32 v9, $0x19  }
0x152: {  	v50 =	vld [tilespmem:$0x7640];
	v51 =	vshrl.u32 v13, $0x19;
	v4 =	vshrl.u32 v49, $0x19;
	v7 =	vmul.u32 $0xFFFB0020, v7  }
0x153: {  	v52 =	vld [tilespmem:$0x7650];
	v55 =	vshrl.u32 v15, $0x19;
	v10 =	vshrl.u32 v54, $0x19;
	v9 =	vmul.u32 $0xFFFB0020, v9  }
0x154: {  	v57 =	vld [tilespmem:$0x7660];
	v4 =	vmul.u32 $0xFFFB0020, v4;
	v2 =	vadd.s32 v7, v2;
	v7 =	vmul.u32 $0xFFFB0020, v51  }
0x155: {  	v59 =	vld [tilespmem:$0x7670];
	v61 =	vshrl.u32 v58, $0x19;
	v5 =	vshrl.u32 v60, $0x19;
	v3 =	vadd.s32 v9, v3;
	[tilespmem:$0x9D80] =	vst v2  }
0x156: {  	v4 =	vadd.s32 v4, v8;
	[tilespmem:$0x9D90] =	vst v3;
	v6 =	vadd.s32 v7, v6;
	v7 =	vmul.u32 $0xFFFB0020, v55  }
0x157: {  	v10 =	vmul.u32 $0xFFFB0020, v10;
	v2 =	vshll.u32 v14, $0x7;
	v3 =	vadd.s32 v50, v56;
	[tilespmem:$0x9DB0] =	vst v4  }
0x158: {  	v2 =	vadd.s32 v52, v2;
	[tilespmem:$0x9DA0] =	vst v6;
	v6 =	vmul.u32 $0xFFFB0020, v61;
	v3 =	vadd.s32 v7, v3  }
0x159: {  	v5 =	vmul.u32 $0xFFFB0020, v5;
	v2 =	vadd.s32 v10, v2;
	[tilespmem:$0x9DC0] =	vst v3;
	v3 =	vadd.s32 v57, v62  }
0x15a: {  	[tilespmem:$0x9DD0] =	vst v2;
	v2 =	vadd.s32 v6, v3;
	v3 =	vadd.s32 v59, v63  }
0x15b: {  	[tilespmem:$0x9DE0] =	vst v2;
	v2 =	vadd.s32 v5, v3  }
0x15c: {  	[tilespmem:$0x9DF0] =	vst v2;
	v2 =	vimm.s32 @!p0 $0x50000  }
0x15d: {  	[tilespmem:$0x9D80] =	vst @!p0 v2  }
0x15e: {  	[tilespmem:$0x9D90] =	vst @!p0 v2  }
0x15f: {  	[tilespmem:$0x9DA0] =	vst @!p0 v2  }
0x160: {  	[tilespmem:$0x9DB0] =	vst @!p0 v2  }
0x161: {  	[tilespmem:$0x9DC0] =	vst @!p0 v2  }
0x162: {  	[tilespmem:$0x9DD0] =	vst @!p0 v2  }
0x163: {  	[tilespmem:$0x9DE0] =	vst @!p0 v2  }
0x164: {  	[tilespmem:$0x9DF0] =	vst @!p0 v2  }
0x165: {  	[spmem:s2] =	stream.indirect.scatter [tilespmem:s16], [sflag:$0x1], $0x1, s18, s15, $0xb8;
	[tilespmem:$0x13F08] =	vst v63  }
0x166: {  	_ =	swait.ge [sflag:s17], $0x80  }
0x167: {  	[sflag:s17] =	ssyncset.done $0x0  }
0x168: {  	[sflag:s17] =	ssyncadd.s32 $0xFFFFFF80  }
0x169: {  	_ =	swait.ge [sflag:s17], $0x80  }
0x16a: {  	[sflag:s17] =	ssyncset.done $0x0  }
0x16b: {  	[sflag:s17] =	ssyncadd.s32 $0xFFFFFF80  }
0x16c: {  	_ =	swait.ge [sflag:s17], $0x80  }
0x16d: {  	[sflag:s17] =	ssyncset.done $0x0  }
0x16e: {  	[sflag:s17] =	ssyncadd.s32 $0xFFFFFF80  }
0x16f: {  	_ =	swait.ge [sflag:s17], $0x80  }
0x170: {  	[sflag:s17] =	ssyncset.done $0x0  }
0x171: {  	[sflag:s17] =	ssyncadd.s32 $0xFFFFFF80  }
0x172: {  	_ =	swait.ge [sflag:s17], $0x80  }
0x173: {  	[sflag:s17] =	ssyncset.done $0x0  }
0x174: {  	[sflag:s17] =	ssyncadd.s32 $0xFFFFFF80  }
0x175: {  	_ =	swait.ge [sflag:s17], $0x80  }
0x176: {  	[sflag:s17] =	ssyncset.done $0x0  }
0x177: {  	[sflag:s17] =	ssyncadd.s32 $0xFFFFFF80  }
0x178: {  	_ =	swait.ge [sflag:s17], $0x80  }
0x179: {  	[sflag:s17] =	ssyncset.done $0x0  }
0x17a: {  	[sflag:s17] =	ssyncadd.s32 $0xFFFFFF80  }
0x17b: {  	_ =	swait.ge [sflag:s17], $0x80  }
0x17c: {  	[sflag:s17] =	ssyncset.done $0x0  }
0x17d: {  	[sflag:s17] =	ssyncadd.s32 $0xFFFFFF80  }
0x17e: {  	_ =	swait.ge [sflag:s17], $0x80  }
0x17f: {  	[sflag:s17] =	ssyncset.done $0x0  }
0x180: {  	[sflag:s17] =	ssyncadd.s32 $0xFFFFFF80  }
0x181: {  	[bflag:$0x0] =	sbarrier.arrive $0xFFFF  }
0x182: {  	[tilespmem:s12], [sflag:$0x3] =	stream.linear.gather [spmem:s6], $0x2800, $0x38;
	[tilespmem:$0x13F08] =	vst v63  }
0x183: {  	_ = 	snop  }
0x184: {  	[tilespmem:s19], [sflag:$0x4] =	stream.linear.gather [spmem:s8], $0x2800, $0x38;
	[tilespmem:$0x13F08] =	vst v63  }
0x185: {  	_ =	swait.ge [sflag:s14], $0x2800  }
0x186: {  	[sflag:s14] =	ssyncset.done $0x0  }
0x187: {  	[sflag:s14] =	ssyncadd.s32 $0xFFFFD800  }
0x188: {  	[hbm4b:s7+s3] =	stream.linear.scatter [tilespmem:s12], [sflag:$0x3], $0x2800, $0x38;
	[tilespmem:$0x13F08] =	vst v63  }
0x189: {  	_ =	swait.ge [sflag:s20], $0x2800  }
0x18a: {  	[sflag:s20] =	ssyncset.done $0x0  }
0x18b: {  	s21 =	sadd.s32 $0x1, s21;
	[sflag:s20] =	ssyncadd.s32 $0xFFFFD800  }
0x18c: {  	[hbm4b:s9+s3] =	stream.linear.scatter [tilespmem:s19], [sflag:$0x4], $0x2800, $0x38;
	[tilespmem:$0x13F08] =	vst v63  }
0x18d: {  	p1 =	sne.s32 s21, s10;
	_ =	swait.ge [sflag:s14], $0x2800  }
.Ltmp3:
0x18e: {  	[sflag:s14] =	ssyncset.done $0x0;
	(pc) =	sbr.rel @p1 .LBB2_1-.Ltmp3, $4  }
0x18f: {  	[sflag:s14] =	ssyncadd.s32 $0xFFFFD800  }
0x190: {  	_ =	swait.ge [sflag:s20], $0x2800  }
0x191: {  	[sflag:s20] =	ssyncset.done $0x0  }
0x192: {  	[sflag:s20] =	ssyncadd.s32 $0xFFFFD800  }
0x193: {  	_ =	sfence.sel $0x180000  }
0x194: {  	[bflag:$0x0] =	sbarrier.arrive $0xFFFF  }
0x195: {  	p0 =	sne.s32 s0, $0x0;
	_ =	strace $0x90000047  }
0x196: {  	s0 =	sadd.s32 @!p0 $0x100000, s1;
	[bflag:$0x2] =	sbarrier.arrive $0xFFFF  }
0x197: {  	[sflag:s0] =	ssyncadd.tile.s32 @!p0 $0x1;
	_ =	shalt  }
.Lfunc_end2:
_tile_overlayer_lowered:
.L_overlay_start_2:
0x198: {  	(tag) =	ssettag $0x2  }
0x199: {  	s0 =	rddreg [dreg:$0x0];
	s2 =	stileid.u32  }
0x19a: {  	s1 =	rddreg [dreg:$0x1];
	p0 =	sne.s32 s2, $0x0  }
0x19b: {  	s3 =	rddreg [dreg:$0x2];
	[bflag:$0x3] =	sbarrier.arrive $0xFFFF;
	s2 =	simm.s32 @!p0 $0x1C05  }
0x19c: {  	[timem:s3], [sflag:s2] =	dma.local @!p0 [hbm:s0], s1  }
0x19d: {  	s0 =	simm.s32 @!p0 $0x5  }
0x19e: {  	_ =	swait.ge @!p0 [sflag:s0], s1  }
0x19f: {  	s1 =	ssub.s32 @!p0 $0x0, s1;
	[sflag:s0] =	ssyncset.done @!p0 $0x0  }
0x1a0: {  	[sflag:s0] =	ssyncadd.s32 @!p0 s1  }
0x1a1: {  	[bflag:$0x3] =	sbarrier.arrive $0xFFFF  }
0x1a2: {  	_ =	shalt  }

</sc_bundles>
